<compile_context>
chip_gen: v7x
topology: tpu7x:2x2x1
jax: 0.10.2.dev20260603
libtpu: 0.0.44.dev20260713+nightly
codegen_flags: <defaults>
</compile_context>

<pallas_src>
import jax
import jax.numpy as jnp
from jax import lax
from jax.experimental import pallas as pl
from jax.experimental.pallas import tpu as pltpu
from jax.experimental.pallas import tpu_sc as plsc

B = 4096
L = 50
D = 64
NC = 2
NS = 16
NW = NC * NS
QPW = B // NW
QPC = 4
RPC = QPC * L
NCHUNK = QPW // QPC
NLANE = 16
NDV = D // NLANE
NBUF = 4


def _bag_kernel(q_hbm, t_hbm, out_hbm, idx_v, bufs, out_v,
                sem0, sem1, sem2, sem3):
    wid = lax.axis_index("c") * NS + lax.axis_index("s")
    pltpu.sync_copy(q_hbm.at[wid], idx_v)

    sems = (sem0, sem1, sem2, sem3)
    for b in range(NBUF):
        pltpu.make_async_copy(
            t_hbm.at[idx_v.at[b]], bufs.at[b], sems[b]).start()

    inv = jnp.float32(1.0 / B)

    def outer(co, carry):
        for b in range(NBUF):
            c = co * NBUF + b
            pltpu.make_async_copy(
                t_hbm.at[idx_v.at[c]], bufs.at[b], sems[b]).wait()
            zeros = [jnp.zeros((NLANE,), jnp.float32)] * (QPC * NDV)

            @plsc.parallel_loop(0, L, unroll=5, carry=zeros)
            def accs(l, acc):
                new = []
                for q in range(QPC):
                    for d in range(NDV):
                        new.append(
                            acc[q * NDV + d]
                            + bufs[b, q * L + l, pl.ds(d * NLANE, NLANE)])
                return new

            for q in range(QPC):
                for d in range(NDV):
                    out_v[c * QPC + q, pl.ds(d * NLANE, NLANE)] = (
                        accs[q * NDV + d] * inv)
            @pl.when(c + NBUF < NCHUNK)
            def _():
                pltpu.make_async_copy(
                    t_hbm.at[idx_v.at[c + NBUF]], bufs.at[b],
                    sems[b]).start()
        return carry

    lax.fori_loop(0, NCHUNK // NBUF, outer, None)

    pltpu.sync_copy(out_v, out_hbm.at[pl.ds(wid * QPW, QPW)])


@jax.jit
def _run(q3, table):
    mesh = plsc.VectorSubcoreMesh(core_axis_name="c", subcore_axis_name="s")
    return pl.kernel(
        _bag_kernel,
        mesh=mesh,
        compiler_params=pltpu.CompilerParams(use_tc_tiling_on_sc=False),
        out_type=jax.ShapeDtypeStruct((B, D), jnp.float32),
        scratch_types=[
            pltpu.VMEM((NCHUNK, RPC), jnp.int32),
            pltpu.VMEM((NBUF, RPC, D), jnp.float32),
            pltpu.VMEM((QPW, D), jnp.float32),
            pltpu.SemaphoreType.DMA,
            pltpu.SemaphoreType.DMA,
            pltpu.SemaphoreType.DMA,
            pltpu.SemaphoreType.DMA,
        ],
    )(q3, table)


def kernel(query, table):
    q3 = query.reshape(NW, NCHUNK, RPC).astype(jnp.int32)
    return _run(q3, table)

# --- scband reference (transcript-rebuilt; emitter-appended) ---
"""Pipeline reference for scband-query-encoder-23768349016336 (READ-ONLY COPY).

The authoritative reference and input builder live on the scoring server;
editing this copy changes nothing except your own understanding.
"""

import jax, jax.numpy as jnp
import numpy as np

NUM_EMBEDDINGS = 100000
EMBED_DIM = 64
BATCH = 4096
QUERY_LEN = 50

def setup_inputs(seed: int = 0) -> dict:
    key = jax.random.key(seed)
    k1, k2 = jax.random.split(key)
    query = jax.random.randint(k1, (BATCH, QUERY_LEN), 0, NUM_EMBEDDINGS, dtype=jnp.int64 if jax.config.read('jax_enable_x64') else jnp.int32)
    table = jax.random.normal(k2, (NUM_EMBEDDINGS, EMBED_DIM), dtype=jnp.float32)
    return {"query": query, "table": table}

def reference(query, table):
    # query_tokens = self.query_token_embeds(query) -> gather rows
    query_tokens = jnp.take(table, query, axis=0)  # [B, L, D]
    # torch.sum(query_tokens, 1) / len(query_tokens)
    # NOTE: len(query_tokens) in torch is the size of dim 0 (the batch size),
    # faithfully reproduced here.
    return jnp.sum(query_tokens, axis=1) / query_tokens.shape[0]

if __name__ == "__main__":
    import jax
    _d = setup_inputs()
    print(jax.jit(kernel)(*tuple(_d.values())))

</pallas_src>

<mosaic_0001>
#map = affine_map<(d0, d1) -> (0, 0, 0)>
#map1 = affine_map<(d0, d1) -> (0, 0)>
module attributes {stable_mosaic.version = 14 : i64} {
  func.func @_bag_kernel(%arg0: i32, %arg1: i32, %arg2: memref<32x32x200xi32, #tpu.memory_space<hbm>>, %arg3: memref<100000x64xf32, #tpu.memory_space<hbm>>, %arg4: memref<4096x64xf32, #tpu.memory_space<hbm>>, %arg5: memref<32x200xi32, #tpu.memory_space<vmem>>, %arg6: memref<4x200x64xf32, #tpu.memory_space<vmem>>, %arg7: memref<128x64xf32, #tpu.memory_space<vmem>>, %arg8: memref<!tpu.dma_semaphore, #tpu.memory_space<semaphore_mem>>, %arg9: memref<!tpu.dma_semaphore, #tpu.memory_space<semaphore_mem>>, %arg10: memref<!tpu.dma_semaphore, #tpu.memory_space<semaphore_mem>>, %arg11: memref<!tpu.dma_semaphore, #tpu.memory_space<semaphore_mem>>) attributes {dimension_semantics = [#tpu.dimension_semantics<core_parallel>, #tpu.dimension_semantics<subcore_parallel>], iteration_bounds = array<i64: 2, 16>, scalar_prefetch = 0 : i64, scratch_operands = 7 : i64, tpu.core_type = #tpu.core_type<sc_vector_subcore>, window_params = [{transform_indices = #map}, {transform_indices = #map1}, {transform_indices = #map1}]} {
    %mul3A = arith.constant 16 : i32
    %mul3A_0 = arith.muli %arg0, %mul3A : i32
    %add3A = arith.addi %mul3A_0, %arg1 : i32
    "tpu.region"() ({
      %run_scoped3A = tpu.sem_alloc : memref<!tpu.dma_semaphore, #tpu.memory_space<semaphore_mem>>
      %dma_start3A_55 = arith.constant 0 : i32
      %dma_start3A_56 = arith.constant 0 : i32
      %dma_start3A_57 = tpu.memref_slice %arg2[%add3A, %dma_start3A_55, %dma_start3A_56] : memref<32x32x200xi32, #tpu.memory_space<hbm>> -> memref<1x32x200xi32, #tpu.memory_space<hbm>>
      %dma_start3A_58 = tpu.memref_squeeze %dma_start3A_57 : memref<1x32x200xi32, #tpu.memory_space<hbm>> -> memref<32x200xi32, #tpu.memory_space<hbm>>
      %dma_start3A_59 = arith.constant 0 : i32
      %dma_start3A_60 = arith.constant 0 : i32
      %dma_start3A_61 = tpu.memref_slice %arg2[%add3A, %dma_start3A_59, %dma_start3A_60] : memref<32x32x200xi32, #tpu.memory_space<hbm>> -> memref<1x32x200xi32, #tpu.memory_space<hbm>>
      %dma_start3A_62 = tpu.memref_squeeze %dma_start3A_61 : memref<1x32x200xi32, #tpu.memory_space<hbm>> -> memref<32x200xi32, #tpu.memory_space<hbm>>
      tpu.enqueue_dma source(%dma_start3A_62 : memref<32x200xi32, #tpu.memory_space<hbm>>) target(%arg5 : memref<32x200xi32, #tpu.memory_space<vmem>>) target_semaphore(%run_scoped3A : memref<!tpu.dma_semaphore, #tpu.memory_space<semaphore_mem>>)
      %dma_wait3A = arith.constant 0 : i32
      %dma_wait3A_63 = arith.constant 0 : i32
      %dma_wait3A_64 = tpu.memref_slice %arg2[%add3A, %dma_wait3A, %dma_wait3A_63] : memref<32x32x200xi32, #tpu.memory_space<hbm>> -> memref<1x32x200xi32, #tpu.memory_space<hbm>>
      %dma_wait3A_65 = tpu.memref_squeeze %dma_wait3A_64 : memref<1x32x200xi32, #tpu.memory_space<hbm>> -> memref<32x200xi32, #tpu.memory_space<hbm>>
      %dma_wait3A_66 = arith.constant 0 : i32
      %dma_wait3A_67 = arith.constant 0 : i32
      %dma_wait3A_68 = tpu.memref_slice %arg2[%add3A, %dma_wait3A_66, %dma_wait3A_67] : memref<32x32x200xi32, #tpu.memory_space<hbm>> -> memref<1x32x200xi32, #tpu.memory_space<hbm>>
      %dma_wait3A_69 = tpu.memref_squeeze %dma_wait3A_68 : memref<1x32x200xi32, #tpu.memory_space<hbm>> -> memref<32x200xi32, #tpu.memory_space<hbm>>
      tpu.wait_dma2 semaphore(%run_scoped3A : memref<!tpu.dma_semaphore, #tpu.memory_space<semaphore_mem>>) src(%dma_wait3A_69 : memref<32x200xi32, #tpu.memory_space<hbm>>) dst(%arg5 : memref<32x200xi32, #tpu.memory_space<vmem>>)
      tpu.yield
    }) : () -> ()
    %dma_start3A = arith.constant 0 : i32
    %dma_start3A_1 = arith.constant 0 : i32
    %dma_start3A_2 = arith.constant 0 : i32
    %dma_start3A_3 = arith.constant 0 : i32
    %dma_start3A_4 = tpu.memref_slice %arg6[%dma_start3A_1, %dma_start3A_2, %dma_start3A_3] : memref<4x200x64xf32, #tpu.memory_space<vmem>> -> memref<1x200x64xf32, #tpu.memory_space<vmem>>
    %dma_start3A_5 = tpu.memref_squeeze %dma_start3A_4 : memref<1x200x64xf32, #tpu.memory_space<vmem>> -> memref<200x64xf32, #tpu.memory_space<vmem>>
    %dma_start3A_6 = arith.constant 0 : i32
    %dma_start3A_7 = tpu.memref_slice %arg5[%dma_start3A, %dma_start3A_6] : memref<32x200xi32, #tpu.memory_space<vmem>> -> memref<1x200xi32, #tpu.memory_space<vmem>>
    %dma_start3A_8 = tpu.memref_squeeze %dma_start3A_7 : memref<1x200xi32, #tpu.memory_space<vmem>> -> memref<200xi32, #tpu.memory_space<vmem>>
    %dma_start3A_9 = arith.constant 0 : i32
    %dma_start3A_10 = arith.constant 0 : i32
    %dma_start3A_11 = tpu.memref_slice %arg3[%dma_start3A_9, %dma_start3A_10] : memref<100000x64xf32, #tpu.memory_space<hbm>> -> memref<100000x64xf32, #tpu.memory_space<hbm>>
    tpu.enqueue_indirect_dma source(%dma_start3A_11 : memref<100000x64xf32, #tpu.memory_space<hbm>>) target(%dma_start3A_5 : memref<200x64xf32, #tpu.memory_space<vmem>>) offsets(%dma_start3A_8 : memref<200xi32, #tpu.memory_space<vmem>>) semaphore(%arg8 : memref<!tpu.dma_semaphore, #tpu.memory_space<semaphore_mem>>)
    %dma_start3A_12 = arith.constant 1 : i32
    %dma_start3A_13 = arith.constant 1 : i32
    %dma_start3A_14 = arith.constant 0 : i32
    %dma_start3A_15 = arith.constant 0 : i32
    %dma_start3A_16 = tpu.memref_slice %arg6[%dma_start3A_13, %dma_start3A_14, %dma_start3A_15] : memref<4x200x64xf32, #tpu.memory_space<vmem>> -> memref<1x200x64xf32, #tpu.memory_space<vmem>>
    %dma_start3A_17 = tpu.memref_squeeze %dma_start3A_16 : memref<1x200x64xf32, #tpu.memory_space<vmem>> -> memref<200x64xf32, #tpu.memory_space<vmem>>
    %dma_start3A_18 = arith.constant 0 : i32
    %dma_start3A_19 = tpu.memref_slice %arg5[%dma_start3A_12, %dma_start3A_18] : memref<32x200xi32, #tpu.memory_space<vmem>> -> memref<1x200xi32, #tpu.memory_space<vmem>>
    %dma_start3A_20 = tpu.memref_squeeze %dma_start3A_19 : memref<1x200xi32, #tpu.memory_space<vmem>> -> memref<200xi32, #tpu.memory_space<vmem>>
    %dma_start3A_21 = arith.constant 0 : i32
    %dma_start3A_22 = arith.constant 0 : i32
    %dma_start3A_23 = tpu.memref_slice %arg3[%dma_start3A_21, %dma_start3A_22] : memref<100000x64xf32, #tpu.memory_space<hbm>> -> memref<100000x64xf32, #tpu.memory_space<hbm>>
    tpu.enqueue_indirect_dma source(%dma_start3A_23 : memref<100000x64xf32, #tpu.memory_space<hbm>>) target(%dma_start3A_17 : memref<200x64xf32, #tpu.memory_space<vmem>>) offsets(%dma_start3A_20 : memref<200xi32, #tpu.memory_space<vmem>>) semaphore(%arg9 : memref<!tpu.dma_semaphore, #tpu.memory_space<semaphore_mem>>)
    %dma_start3A_24 = arith.constant 2 : i32
    %dma_start3A_25 = arith.constant 2 : i32
    %dma_start3A_26 = arith.constant 0 : i32
    %dma_start3A_27 = arith.constant 0 : i32
    %dma_start3A_28 = tpu.memref_slice %arg6[%dma_start3A_25, %dma_start3A_26, %dma_start3A_27] : memref<4x200x64xf32, #tpu.memory_space<vmem>> -> memref<1x200x64xf32, #tpu.memory_space<vmem>>
    %dma_start3A_29 = tpu.memref_squeeze %dma_start3A_28 : memref<1x200x64xf32, #tpu.memory_space<vmem>> -> memref<200x64xf32, #tpu.memory_space<vmem>>
    %dma_start3A_30 = arith.constant 0 : i32
    %dma_start3A_31 = tpu.memref_slice %arg5[%dma_start3A_24, %dma_start3A_30] : memref<32x200xi32, #tpu.memory_space<vmem>> -> memref<1x200xi32, #tpu.memory_space<vmem>>
    %dma_start3A_32 = tpu.memref_squeeze %dma_start3A_31 : memref<1x200xi32, #tpu.memory_space<vmem>> -> memref<200xi32, #tpu.memory_space<vmem>>
    %dma_start3A_33 = arith.constant 0 : i32
    %dma_start3A_34 = arith.constant 0 : i32
    %dma_start3A_35 = tpu.memref_slice %arg3[%dma_start3A_33, %dma_start3A_34] : memref<100000x64xf32, #tpu.memory_space<hbm>> -> memref<100000x64xf32, #tpu.memory_space<hbm>>
    tpu.enqueue_indirect_dma source(%dma_start3A_35 : memref<100000x64xf32, #tpu.memory_space<hbm>>) target(%dma_start3A_29 : memref<200x64xf32, #tpu.memory_space<vmem>>) offsets(%dma_start3A_32 : memref<200xi32, #tpu.memory_space<vmem>>) semaphore(%arg10 : memref<!tpu.dma_semaphore, #tpu.memory_space<semaphore_mem>>)
    %dma_start3A_36 = arith.constant 3 : i32
    %dma_start3A_37 = arith.constant 3 : i32
    %dma_start3A_38 = arith.constant 0 : i32
    %dma_start3A_39 = arith.constant 0 : i32
    %dma_start3A_40 = tpu.memref_slice %arg6[%dma_start3A_37, %dma_start3A_38, %dma_start3A_39] : memref<4x200x64xf32, #tpu.memory_space<vmem>> -> memref<1x200x64xf32, #tpu.memory_space<vmem>>
    %dma_start3A_41 = tpu.memref_squeeze %dma_start3A_40 : memref<1x200x64xf32, #tpu.memory_space<vmem>> -> memref<200x64xf32, #tpu.memory_space<vmem>>
    %dma_start3A_42 = arith.constant 0 : i32
    %dma_start3A_43 = tpu.memref_slice %arg5[%dma_start3A_36, %dma_start3A_42] : memref<32x200xi32, #tpu.memory_space<vmem>> -> memref<1x200xi32, #tpu.memory_space<vmem>>
    %dma_start3A_44 = tpu.memref_squeeze %dma_start3A_43 : memref<1x200xi32, #tpu.memory_space<vmem>> -> memref<200xi32, #tpu.memory_space<vmem>>
    %dma_start3A_45 = arith.constant 0 : i32
    %dma_start3A_46 = arith.constant 0 : i32
    %dma_start3A_47 = tpu.memref_slice %arg3[%dma_start3A_45, %dma_start3A_46] : memref<100000x64xf32, #tpu.memory_space<hbm>> -> memref<100000x64xf32, #tpu.memory_space<hbm>>
    tpu.enqueue_indirect_dma source(%dma_start3A_47 : memref<100000x64xf32, #tpu.memory_space<hbm>>) target(%dma_start3A_41 : memref<200x64xf32, #tpu.memory_space<vmem>>) offsets(%dma_start3A_44 : memref<200xi32, #tpu.memory_space<vmem>>) semaphore(%arg11 : memref<!tpu.dma_semaphore, #tpu.memory_space<semaphore_mem>>)
    %scan3A = arith.constant 2.44140625E-4 : f32
    %scan3A_48 = arith.constant 0 : i32
    %scan3A_49 = arith.constant 8 : i32
    %scan3A_50 = arith.addi %scan3A_48, %scan3A_49 : i32
    %scan3A_51 = arith.constant 1 : i32
    scf.for %scan3A_55 = %scan3A_48 to %scan3A_50 step %scan3A_51  : i32 {
      %mul3A_56 = arith.constant 4 : i32
      %mul3A_57 = arith.muli %scan3A_55, %mul3A_56 : i32
      %add3A_58 = arith.constant 0 : i32
      %add3A_59 = arith.addi %mul3A_57, %add3A_58 : i32
      %dma_wait3A = arith.constant 0 : i32
      %dma_wait3A_60 = arith.constant 0 : i32
      %dma_wait3A_61 = arith.constant 0 : i32
      %dma_wait3A_62 = tpu.memref_slice %arg6[%dma_wait3A, %dma_wait3A_60, %dma_wait3A_61] : memref<4x200x64xf32, #tpu.memory_space<vmem>> -> memref<1x200x64xf32, #tpu.memory_space<vmem>>
      %dma_wait3A_63 = tpu.memref_squeeze %dma_wait3A_62 : memref<1x200x64xf32, #tpu.memory_space<vmem>> -> memref<200x64xf32, #tpu.memory_space<vmem>>
      %dma_wait3A_64 = arith.constant 0 : i32
      %dma_wait3A_65 = tpu.memref_slice %arg5[%add3A_59, %dma_wait3A_64] : memref<32x200xi32, #tpu.memory_space<vmem>> -> memref<1x200xi32, #tpu.memory_space<vmem>>
      %dma_wait3A_66 = tpu.memref_squeeze %dma_wait3A_65 : memref<1x200xi32, #tpu.memory_space<vmem>> -> memref<200xi32, #tpu.memory_space<vmem>>
      %dma_wait3A_67 = arith.constant 0 : i32
      %dma_wait3A_68 = arith.constant 0 : i32
      %dma_wait3A_69 = tpu.memref_slice %arg3[%dma_wait3A_67, %dma_wait3A_68] : memref<100000x64xf32, #tpu.memory_space<hbm>> -> memref<100000x64xf32, #tpu.memory_space<hbm>>
      tpu.wait_indirect_dma semaphore(%arg8 : memref<!tpu.dma_semaphore, #tpu.memory_space<semaphore_mem>>) src(%dma_wait3A_69 : memref<100000x64xf32, #tpu.memory_space<hbm>>) dst(%dma_wait3A_63 : memref<200x64xf32, #tpu.memory_space<vmem>>)
      %broadcast_in_dim3A = arith.constant 0.000000e+00 : f32
      %broadcast_in_dim3A_70 = vector.broadcast %broadcast_in_dim3A : f32 to vector<16xf32>
      %parallel_loop3A = arith.constant 0 : i32
      %parallel_loop3A_71 = arith.constant 50 : i32
      %parallel_loop3A_72 = arith.constant 1 : i32
      %parallel_loop3A_73:16 = scf.for %parallel_loop3A_865 = %parallel_loop3A to %parallel_loop3A_71 step %parallel_loop3A_72 iter_args(%parallel_loop3A_866 = %broadcast_in_dim3A_70, %parallel_loop3A_867 = %broadcast_in_dim3A_70, %parallel_loop3A_868 = %broadcast_in_dim3A_70, %parallel_loop3A_869 = %broadcast_in_dim3A_70, %parallel_loop3A_870 = %broadcast_in_dim3A_70, %parallel_loop3A_871 = %broadcast_in_dim3A_70, %parallel_loop3A_872 = %broadcast_in_dim3A_70, %parallel_loop3A_873 = %broadcast_in_dim3A_70, %parallel_loop3A_874 = %broadcast_in_dim3A_70, %parallel_loop3A_875 = %broadcast_in_dim3A_70, %parallel_loop3A_876 = %broadcast_in_dim3A_70, %parallel_loop3A_877 = %broadcast_in_dim3A_70, %parallel_loop3A_878 = %broadcast_in_dim3A_70, %parallel_loop3A_879 = %broadcast_in_dim3A_70, %parallel_loop3A_880 = %broadcast_in_dim3A_70, %parallel_loop3A_881 = %broadcast_in_dim3A_70) -> (vector<16xf32>, vector<16xf32>, vector<16xf32>, vector<16xf32>, vector<16xf32>, vector<16xf32>, vector<16xf32>, vector<16xf32>, vector<16xf32>, vector<16xf32>, vector<16xf32>, vector<16xf32>, vector<16xf32>, vector<16xf32>, vector<16xf32>, vector<16xf32>)  : i32 {
        %parallel_loop3A_882 = arith.constant 0 : i32
        %parallel_loop3A_883 = arith.addi %parallel_loop3A_882, %parallel_loop3A_865 : i32
        %parallel_loop3A_884 = arith.constant 0 : i32
        %parallel_loop3A_885 = arith.index_cast %parallel_loop3A_884 : i32 to index
        %parallel_loop3A_886 = arith.index_cast %parallel_loop3A_883 : i32 to index
        %parallel_loop3A_887 = arith.constant 0 : index
        %parallel_loop3A_888 = tpu.vector_load %arg6[%parallel_loop3A_885, %parallel_loop3A_886, %parallel_loop3A_887] {strides = array<i32>} : memref<4x200x64xf32, #tpu.memory_space<vmem>>, vector<1x1x16xf32>,
        %parallel_loop3A_889 = vector.shape_cast %parallel_loop3A_888 : vector<1x1x16xf32> to vector<16xf32>
        %parallel_loop3A_890 = arith.addf %parallel_loop3A_866, %parallel_loop3A_889 : vector<16xf32>
        %parallel_loop3A_891 = arith.constant 0 : i32
        %parallel_loop3A_892 = arith.addi %parallel_loop3A_891, %parallel_loop3A_865 : i32
        %parallel_loop3A_893 = arith.constant 0 : i32
        %parallel_loop3A_894 = arith.index_cast %parallel_loop3A_893 : i32 to index
        %parallel_loop3A_895 = arith.index_cast %parallel_loop3A_892 : i32 to index
        %parallel_loop3A_896 = arith.constant 16 : index
        %parallel_loop3A_897 = tpu.vector_load %arg6[%parallel_loop3A_894, %parallel_loop3A_895, %parallel_loop3A_896] {strides = array<i32>} : memref<4x200x64xf32, #tpu.memory_space<vmem>>, vector<1x1x16xf32>,
        %parallel_loop3A_898 = vector.shape_cast %parallel_loop3A_897 : vector<1x1x16xf32> to vector<16xf32>
        %parallel_loop3A_899 = arith.addf %parallel_loop3A_867, %parallel_loop3A_898 : vector<16xf32>
        %parallel_loop3A_900 = arith.constant 0 : i32
        %parallel_loop3A_901 = arith.addi %parallel_loop3A_900, %parallel_loop3A_865 : i32
        %parallel_loop3A_902 = arith.constant 0 : i32
        %parallel_loop3A_903 = arith.index_cast %parallel_loop3A_902 : i32 to index
        %parallel_loop3A_904 = arith.index_cast %parallel_loop3A_901 : i32 to index
        %parallel_loop3A_905 = arith.constant 32 : index
        %parallel_loop3A_906 = tpu.vector_load %arg6[%parallel_loop3A_903, %parallel_loop3A_904, %parallel_loop3A_905] {strides = array<i32>} : memref<4x200x64xf32, #tpu.memory_space<vmem>>, vector<1x1x16xf32>,
        %parallel_loop3A_907 = vector.shape_cast %parallel_loop3A_906 : vector<1x1x16xf32> to vector<16xf32>
        %parallel_loop3A_908 = arith.addf %parallel_loop3A_868, %parallel_loop3A_907 : vector<16xf32>
        %parallel_loop3A_909 = arith.constant 0 : i32
        %parallel_loop3A_910 = arith.addi %parallel_loop3A_909, %parallel_loop3A_865 : i32
        %parallel_loop3A_911 = arith.constant 0 : i32
        %parallel_loop3A_912 = arith.index_cast %parallel_loop3A_911 : i32 to index
        %parallel_loop3A_913 = arith.index_cast %parallel_loop3A_910 : i32 to index
        %parallel_loop3A_914 = arith.constant 48 : index
        %parallel_loop3A_915 = tpu.vector_load %arg6[%parallel_loop3A_912, %parallel_loop3A_913, %parallel_loop3A_914] {strides = array<i32>} : memref<4x200x64xf32, #tpu.memory_space<vmem>>, vector<1x1x16xf32>,
        %parallel_loop3A_916 = vector.shape_cast %parallel_loop3A_915 : vector<1x1x16xf32> to vector<16xf32>
        %parallel_loop3A_917 = arith.addf %parallel_loop3A_869, %parallel_loop3A_916 : vector<16xf32>
        %parallel_loop3A_918 = arith.constant 50 : i32
        %parallel_loop3A_919 = arith.addi %parallel_loop3A_918, %parallel_loop3A_865 : i32
        %parallel_loop3A_920 = arith.constant 0 : i32
        %parallel_loop3A_921 = arith.index_cast %parallel_loop3A_920 : i32 to index
        %parallel_loop3A_922 = arith.index_cast %parallel_loop3A_919 : i32 to index
        %parallel_loop3A_923 = arith.constant 0 : index
        %parallel_loop3A_924 = tpu.vector_load %arg6[%parallel_loop3A_921, %parallel_loop3A_922, %parallel_loop3A_923] {strides = array<i32>} : memref<4x200x64xf32, #tpu.memory_space<vmem>>, vector<1x1x16xf32>,
        %parallel_loop3A_925 = vector.shape_cast %parallel_loop3A_924 : vector<1x1x16xf32> to vector<16xf32>
        %parallel_loop3A_926 = arith.addf %parallel_loop3A_870, %parallel_loop3A_925 : vector<16xf32>
        %parallel_loop3A_927 = arith.constant 50 : i32
        %parallel_loop3A_928 = arith.addi %parallel_loop3A_927, %parallel_loop3A_865 : i32
        %parallel_loop3A_929 = arith.constant 0 : i32
        %parallel_loop3A_930 = arith.index_cast %parallel_loop3A_929 : i32 to index
        %parallel_loop3A_931 = arith.index_cast %parallel_loop3A_928 : i32 to index
        %parallel_loop3A_932 = arith.constant 16 : index
        %parallel_loop3A_933 = tpu.vector_load %arg6[%parallel_loop3A_930, %parallel_loop3A_931, %parallel_loop3A_932] {strides = array<i32>} : memref<4x200x64xf32, #tpu.memory_space<vmem>>, vector<1x1x16xf32>,
        %parallel_loop3A_934 = vector.shape_cast %parallel_loop3A_933 : vector<1x1x16xf32> to vector<16xf32>
        %parallel_loop3A_935 = arith.addf %parallel_loop3A_871, %parallel_loop3A_934 : vector<16xf32>
        %parallel_loop3A_936 = arith.constant 50 : i32
        %parallel_loop3A_937 = arith.addi %parallel_loop3A_936, %parallel_loop3A_865 : i32
        %parallel_loop3A_938 = arith.constant 0 : i32
        %parallel_loop3A_939 = arith.index_cast %parallel_loop3A_938 : i32 to index
        %parallel_loop3A_940 = arith.index_cast %parallel_loop3A_937 : i32 to index
        %parallel_loop3A_941 = arith.constant 32 : index
        %parallel_loop3A_942 = tpu.vector_load %arg6[%parallel_loop3A_939, %parallel_loop3A_940, %parallel_loop3A_941] {strides = array<i32>} : memref<4x200x64xf32, #tpu.memory_space<vmem>>, vector<1x1x16xf32>,
        %parallel_loop3A_943 = vector.shape_cast %parallel_loop3A_942 : vector<1x1x16xf32> to vector<16xf32>
        %parallel_loop3A_944 = arith.addf %parallel_loop3A_872, %parallel_loop3A_943 : vector<16xf32>
        %parallel_loop3A_945 = arith.constant 50 : i32
        %parallel_loop3A_946 = arith.addi %parallel_loop3A_945, %parallel_loop3A_865 : i32
        %parallel_loop3A_947 = arith.constant 0 : i32
        %parallel_loop3A_948 = arith.index_cast %parallel_loop3A_947 : i32 to index
        %parallel_loop3A_949 = arith.index_cast %parallel_loop3A_946 : i32 to index
        %parallel_loop3A_950 = arith.constant 48 : index
        %parallel_loop3A_951 = tpu.vector_load %arg6[%parallel_loop3A_948, %parallel_loop3A_949, %parallel_loop3A_950] {strides = array<i32>} : memref<4x200x64xf32, #tpu.memory_space<vmem>>, vector<1x1x16xf32>,
        %parallel_loop3A_952 = vector.shape_cast %parallel_loop3A_951 : vector<1x1x16xf32> to vector<16xf32>
        %parallel_loop3A_953 = arith.addf %parallel_loop3A_873, %parallel_loop3A_952 : vector<16xf32>
        %parallel_loop3A_954 = arith.constant 100 : i32
        %parallel_loop3A_955 = arith.addi %parallel_loop3A_954, %parallel_loop3A_865 : i32
        %parallel_loop3A_956 = arith.constant 0 : i32
        %parallel_loop3A_957 = arith.index_cast %parallel_loop3A_956 : i32 to index
        %parallel_loop3A_958 = arith.index_cast %parallel_loop3A_955 : i32 to index
        %parallel_loop3A_959 = arith.constant 0 : index
        %parallel_loop3A_960 = tpu.vector_load %arg6[%parallel_loop3A_957, %parallel_loop3A_958, %parallel_loop3A_959] {strides = array<i32>} : memref<4x200x64xf32, #tpu.memory_space<vmem>>, vector<1x1x16xf32>,
        %parallel_loop3A_961 = vector.shape_cast %parallel_loop3A_960 : vector<1x1x16xf32> to vector<16xf32>
        %parallel_loop3A_962 = arith.addf %parallel_loop3A_874, %parallel_loop3A_961 : vector<16xf32>
        %parallel_loop3A_963 = arith.constant 100 : i32
        %parallel_loop3A_964 = arith.addi %parallel_loop3A_963, %parallel_loop3A_865 : i32
        %parallel_loop3A_965 = arith.constant 0 : i32
        %parallel_loop3A_966 = arith.index_cast %parallel_loop3A_965 : i32 to index
        %parallel_loop3A_967 = arith.index_cast %parallel_loop3A_964 : i32 to index
        %parallel_loop3A_968 = arith.constant 16 : index
        %parallel_loop3A_969 = tpu.vector_load %arg6[%parallel_loop3A_966, %parallel_loop3A_967, %parallel_loop3A_968] {strides = array<i32>} : memref<4x200x64xf32, #tpu.memory_space<vmem>>, vector<1x1x16xf32>,
        %parallel_loop3A_970 = vector.shape_cast %parallel_loop3A_969 : vector<1x1x16xf32> to vector<16xf32>
        %parallel_loop3A_971 = arith.addf %parallel_loop3A_875, %parallel_loop3A_970 : vector<16xf32>
        %parallel_loop3A_972 = arith.constant 100 : i32
        %parallel_loop3A_973 = arith.addi %parallel_loop3A_972, %parallel_loop3A_865 : i32
        %parallel_loop3A_974 = arith.constant 0 : i32
        %parallel_loop3A_975 = arith.index_cast %parallel_loop3A_974 : i32 to index
        %parallel_loop3A_976 = arith.index_cast %parallel_loop3A_973 : i32 to index
        %parallel_loop3A_977 = arith.constant 32 : index
        %parallel_loop3A_978 = tpu.vector_load %arg6[%parallel_loop3A_975, %parallel_loop3A_976, %parallel_loop3A_977] {strides = array<i32>} : memref<4x200x64xf32, #tpu.memory_space<vmem>>, vector<1x1x16xf32>,
        %parallel_loop3A_979 = vector.shape_cast %parallel_loop3A_978 : vector<1x1x16xf32> to vector<16xf32>
        %parallel_loop3A_980 = arith.addf %parallel_loop3A_876, %parallel_loop3A_979 : vector<16xf32>
        %parallel_loop3A_981 = arith.constant 100 : i32
        %parallel_loop3A_982 = arith.addi %parallel_loop3A_981, %parallel_loop3A_865 : i32
        %parallel_loop3A_983 = arith.constant 0 : i32
        %parallel_loop3A_984 = arith.index_cast %parallel_loop3A_983 : i32 to index
        %parallel_loop3A_985 = arith.index_cast %parallel_loop3A_982 : i32 to index
        %parallel_loop3A_986 = arith.constant 48 : index
        %parallel_loop3A_987 = tpu.vector_load %arg6[%parallel_loop3A_984, %parallel_loop3A_985, %parallel_loop3A_986] {strides = array<i32>} : memref<4x200x64xf32, #tpu.memory_space<vmem>>, vector<1x1x16xf32>,
        %parallel_loop3A_988 = vector.shape_cast %parallel_loop3A_987 : vector<1x1x16xf32> to vector<16xf32>
        %parallel_loop3A_989 = arith.addf %parallel_loop3A_877, %parallel_loop3A_988 : vector<16xf32>
        %parallel_loop3A_990 = arith.constant 150 : i32
        %parallel_loop3A_991 = arith.addi %parallel_loop3A_990, %parallel_loop3A_865 : i32
        %parallel_loop3A_992 = arith.constant 0 : i32
        %parallel_loop3A_993 = arith.index_cast %parallel_loop3A_992 : i32 to index
        %parallel_loop3A_994 = arith.index_cast %parallel_loop3A_991 : i32 to index
        %parallel_loop3A_995 = arith.constant 0 : index
        %parallel_loop3A_996 = tpu.vector_load %arg6[%parallel_loop3A_993, %parallel_loop3A_994, %parallel_loop3A_995] {strides = array<i32>} : memref<4x200x64xf32, #tpu.memory_space<vmem>>, vector<1x1x16xf32>,
        %parallel_loop3A_997 = vector.shape_cast %parallel_loop3A_996 : vector<1x1x16xf32> to vector<16xf32>
        %parallel_loop3A_998 = arith.addf %parallel_loop3A_878, %parallel_loop3A_997 : vector<16xf32>
        %parallel_loop3A_999 = arith.constant 150 : i32
        %parallel_loop3A_1000 = arith.addi %parallel_loop3A_999, %parallel_loop3A_865 : i32
        %parallel_loop3A_1001 = arith.constant 0 : i32
        %parallel_loop3A_1002 = arith.index_cast %parallel_loop3A_1001 : i32 to index
        %parallel_loop3A_1003 = arith.index_cast %parallel_loop3A_1000 : i32 to index
        %parallel_loop3A_1004 = arith.constant 16 : index
        %parallel_loop3A_1005 = tpu.vector_load %arg6[%parallel_loop3A_1002, %parallel_loop3A_1003, %parallel_loop3A_1004] {strides = array<i32>} : memref<4x200x64xf32, #tpu.memory_space<vmem>>, vector<1x1x16xf32>,
        %parallel_loop3A_1006 = vector.shape_cast %parallel_loop3A_1005 : vector<1x1x16xf32> to vector<16xf32>
        %parallel_loop3A_1007 = arith.addf %parallel_loop3A_879, %parallel_loop3A_1006 : vector<16xf32>
        %parallel_loop3A_1008 = arith.constant 150 : i32
        %parallel_loop3A_1009 = arith.addi %parallel_loop3A_1008, %parallel_loop3A_865 : i32
        %parallel_loop3A_1010 = arith.constant 0 : i32
        %parallel_loop3A_1011 = arith.index_cast %parallel_loop3A_1010 : i32 to index
        %parallel_loop3A_1012 = arith.index_cast %parallel_loop3A_1009 : i32 to index
        %parallel_loop3A_1013 = arith.constant 32 : index
        %parallel_loop3A_1014 = tpu.vector_load %arg6[%parallel_loop3A_1011, %parallel_loop3A_1012, %parallel_loop3A_1013] {strides = array<i32>} : memref<4x200x64xf32, #tpu.memory_space<vmem>>, vector<1x1x16xf32>,
        %parallel_loop3A_1015 = vector.shape_cast %parallel_loop3A_1014 : vector<1x1x16xf32> to vector<16xf32>
        %parallel_loop3A_1016 = arith.addf %parallel_loop3A_880, %parallel_loop3A_1015 : vector<16xf32>
        %parallel_loop3A_1017 = arith.constant 150 : i32
        %parallel_loop3A_1018 = arith.addi %parallel_loop3A_1017, %parallel_loop3A_865 : i32
        %parallel_loop3A_1019 = arith.constant 0 : i32
        %parallel_loop3A_1020 = arith.index_cast %parallel_loop3A_1019 : i32 to index
        %parallel_loop3A_1021 = arith.index_cast %parallel_loop3A_1018 : i32 to index
        %parallel_loop3A_1022 = arith.constant 48 : index
        %parallel_loop3A_1023 = tpu.vector_load %arg6[%parallel_loop3A_1020, %parallel_loop3A_1021, %parallel_loop3A_1022] {strides = array<i32>} : memref<4x200x64xf32, #tpu.memory_space<vmem>>, vector<1x1x16xf32>,
        %parallel_loop3A_1024 = vector.shape_cast %parallel_loop3A_1023 : vector<1x1x16xf32> to vector<16xf32>
        %parallel_loop3A_1025 = arith.addf %parallel_loop3A_881, %parallel_loop3A_1024 : vector<16xf32>
        scf.yield %parallel_loop3A_890, %parallel_loop3A_899, %parallel_loop3A_908, %parallel_loop3A_917, %parallel_loop3A_926, %parallel_loop3A_935, %parallel_loop3A_944, %parallel_loop3A_953, %parallel_loop3A_962, %parallel_loop3A_971, %parallel_loop3A_980, %parallel_loop3A_989, %parallel_loop3A_998, %parallel_loop3A_1007, %parallel_loop3A_1016, %parallel_loop3A_1025 : vector<16xf32>, vector<16xf32>, vector<16xf32>, vector<16xf32>, vector<16xf32>, vector<16xf32>, vector<16xf32>, vector<16xf32>, vector<16xf32>, vector<16xf32>, vector<16xf32>, vector<16xf32>, vector<16xf32>, vector<16xf32>, vector<16xf32>, vector<16xf32>
      } {sc.loop_unroll_factor = 5 : i64, sc.parallel_access}
      %mul3A_74 = vector.broadcast %scan3A : f32 to vector<16xf32>
      %mul3A_75 = arith.mulf %parallel_loop3A_73#0, %mul3A_74 : vector<16xf32>
      %mul3A_76 = arith.constant 4 : i32
      %mul3A_77 = arith.muli %add3A_59, %mul3A_76 : i32
      %add3A_78 = arith.constant 0 : i32
      %add3A_79 = arith.addi %mul3A_77, %add3A_78 : i32
      %swap3A = arith.index_cast %add3A_79 : i32 to index
      %swap3A_80 = arith.constant 0 : index
      %swap3A_81 = tpu.vector_load %arg7[%swap3A, %swap3A_80] {strides = array<i32>} : memref<128x64xf32, #tpu.memory_space<vmem>>, vector<1x16xf32>,
      %swap3A_82 = vector.shape_cast %swap3A_81 : vector<1x16xf32> to vector<16xf32>
      %swap3A_83 = vector.shape_cast %mul3A_75 : vector<16xf32> to vector<1x16xf32>
      tpu.vector_store %arg7[%swap3A, %swap3A_80], %swap3A_83 {strides = array<i32>} : memref<128x64xf32, #tpu.memory_space<vmem>>, vector<1x16xf32>,
      %mul3A_84 = vector.broadcast %scan3A : f32 to vector<16xf32>
      %mul3A_85 = arith.mulf %parallel_loop3A_73#1, %mul3A_84 : vector<16xf32>
      %mul3A_86 = arith.constant 4 : i32
      %mul3A_87 = arith.muli %add3A_59, %mul3A_86 : i32
      %add3A_88 = arith.constant 0 : i32
      %add3A_89 = arith.addi %mul3A_87, %add3A_88 : i32
      %swap3A_90 = arith.index_cast %add3A_89 : i32 to index
      %swap3A_91 = arith.constant 16 : index
      %swap3A_92 = tpu.vector_load %arg7[%swap3A_90, %swap3A_91] {strides = array<i32>} : memref<128x64xf32, #tpu.memory_space<vmem>>, vector<1x16xf32>,
      %swap3A_93 = vector.shape_cast %swap3A_92 : vector<1x16xf32> to vector<16xf32>
      %swap3A_94 = vector.shape_cast %mul3A_85 : vector<16xf32> to vector<1x16xf32>
      tpu.vector_store %arg7[%swap3A_90, %swap3A_91], %swap3A_94 {strides = array<i32>} : memref<128x64xf32, #tpu.memory_space<vmem>>, vector<1x16xf32>,
      %mul3A_95 = vector.broadcast %scan3A : f32 to vector<16xf32>
      %mul3A_96 = arith.mulf %parallel_loop3A_73#2, %mul3A_95 : vector<16xf32>
      %mul3A_97 = arith.constant 4 : i32
      %mul3A_98 = arith.muli %add3A_59, %mul3A_97 : i32
      %add3A_99 = arith.constant 0 : i32
      %add3A_100 = arith.addi %mul3A_98, %add3A_99 : i32
      %swap3A_101 = arith.index_cast %add3A_100 : i32 to index
      %swap3A_102 = arith.constant 32 : index
      %swap3A_103 = tpu.vector_load %arg7[%swap3A_101, %swap3A_102] {strides = array<i32>} : memref<128x64xf32, #tpu.memory_space<vmem>>, vector<1x16xf32>,
      %swap3A_104 = vector.shape_cast %swap3A_103 : vector<1x16xf32> to vector<16xf32>
      %swap3A_105 = vector.shape_cast %mul3A_96 : vector<16xf32> to vector<1x16xf32>
      tpu.vector_store %arg7[%swap3A_101, %swap3A_102], %swap3A_105 {strides = array<i32>} : memref<128x64xf32, #tpu.memory_space<vmem>>, vector<1x16xf32>,
      %mul3A_106 = vector.broadcast %scan3A : f32 to vector<16xf32>
      %mul3A_107 = arith.mulf %parallel_loop3A_73#3, %mul3A_106 : vector<16xf32>
      %mul3A_108 = arith.constant 4 : i32
      %mul3A_109 = arith.muli %add3A_59, %mul3A_108 : i32
      %add3A_110 = arith.constant 0 : i32
      %add3A_111 = arith.addi %mul3A_109, %add3A_110 : i32
      %swap3A_112 = arith.index_cast %add3A_111 : i32 to index
      %swap3A_113 = arith.constant 48 : index
      %swap3A_114 = tpu.vector_load %arg7[%swap3A_112, %swap3A_113] {strides = array<i32>} : memref<128x64xf32, #tpu.memory_space<vmem>>, vector<1x16xf32>,
      %swap3A_115 = vector.shape_cast %swap3A_114 : vector<1x16xf32> to vector<16xf32>
      %swap3A_116 = vector.shape_cast %mul3A_107 : vector<16xf32> to vector<1x16xf32>
      tpu.vector_store %arg7[%swap3A_112, %swap3A_113], %swap3A_116 {strides = array<i32>} : memref<128x64xf32, #tpu.memory_space<vmem>>, vector<1x16xf32>,
      %mul3A_117 = vector.broadcast %scan3A : f32 to vector<16xf32>
      %mul3A_118 = arith.mulf %parallel_loop3A_73#4, %mul3A_117 : vector<16xf32>
      %mul3A_119 = arith.constant 4 : i32
      %mul3A_120 = arith.muli %add3A_59, %mul3A_119 : i32
      %add3A_121 = arith.constant 1 : i32
      %add3A_122 = arith.addi %mul3A_120, %add3A_121 : i32
      %swap3A_123 = arith.index_cast %add3A_122 : i32 to index
      %swap3A_124 = arith.constant 0 : index
      %swap3A_125 = tpu.vector_load %arg7[%swap3A_123, %swap3A_124] {strides = array<i32>} : memref<128x64xf32, #tpu.memory_space<vmem>>, vector<1x16xf32>,
      %swap3A_126 = vector.shape_cast %swap3A_125 : vector<1x16xf32> to vector<16xf32>
      %swap3A_127 = vector.shape_cast %mul3A_118 : vector<16xf32> to vector<1x16xf32>
      tpu.vector_store %arg7[%swap3A_123, %swap3A_124], %swap3A_127 {strides = array<i32>} : memref<128x64xf32, #tpu.memory_space<vmem>>, vector<1x16xf32>,
      %mul3A_128 = vector.broadcast %scan3A : f32 to vector<16xf32>
      %mul3A_129 = arith.mulf %parallel_loop3A_73#5, %mul3A_128 : vector<16xf32>
      %mul3A_130 = arith.constant 4 : i32
      %mul3A_131 = arith.muli %add3A_59, %mul3A_130 : i32
      %add3A_132 = arith.constant 1 : i32
      %add3A_133 = arith.addi %mul3A_131, %add3A_132 : i32
      %swap3A_134 = arith.index_cast %add3A_133 : i32 to index
      %swap3A_135 = arith.constant 16 : index
      %swap3A_136 = tpu.vector_load %arg7[%swap3A_134, %swap3A_135] {strides = array<i32>} : memref<128x64xf32, #tpu.memory_space<vmem>>, vector<1x16xf32>,
      %swap3A_137 = vector.shape_cast %swap3A_136 : vector<1x16xf32> to vector<16xf32>
      %swap3A_138 = vector.shape_cast %mul3A_129 : vector<16xf32> to vector<1x16xf32>
      tpu.vector_store %arg7[%swap3A_134, %swap3A_135], %swap3A_138 {strides = array<i32>} : memref<128x64xf32, #tpu.memory_space<vmem>>, vector<1x16xf32>,
      %mul3A_139 = vector.broadcast %scan3A : f32 to vector<16xf32>
      %mul3A_140 = arith.mulf %parallel_loop3A_73#6, %mul3A_139 : vector<16xf32>
      %mul3A_141 = arith.constant 4 : i32
      %mul3A_142 = arith.muli %add3A_59, %mul3A_141 : i32
      %add3A_143 = arith.constant 1 : i32
      %add3A_144 = arith.addi %mul3A_142, %add3A_143 : i32
      %swap3A_145 = arith.index_cast %add3A_144 : i32 to index
      %swap3A_146 = arith.constant 32 : index
      %swap3A_147 = tpu.vector_load %arg7[%swap3A_145, %swap3A_146] {strides = array<i32>} : memref<128x64xf32, #tpu.memory_space<vmem>>, vector<1x16xf32>,
      %swap3A_148 = vector.shape_cast %swap3A_147 : vector<1x16xf32> to vector<16xf32>
      %swap3A_149 = vector.shape_cast %mul3A_140 : vector<16xf32> to vector<1x16xf32>
      tpu.vector_store %arg7[%swap3A_145, %swap3A_146], %swap3A_149 {strides = array<i32>} : memref<128x64xf32, #tpu.memory_space<vmem>>, vector<1x16xf32>,
      %mul3A_150 = vector.broadcast %scan3A : f32 to vector<16xf32>
      %mul3A_151 = arith.mulf %parallel_loop3A_73#7, %mul3A_150 : vector<16xf32>
      %mul3A_152 = arith.constant 4 : i32
      %mul3A_153 = arith.muli %add3A_59, %mul3A_152 : i32
      %add3A_154 = arith.constant 1 : i32
      %add3A_155 = arith.addi %mul3A_153, %add3A_154 : i32
      %swap3A_156 = arith.index_cast %add3A_155 : i32 to index
      %swap3A_157 = arith.constant 48 : index
      %swap3A_158 = tpu.vector_load %arg7[%swap3A_156, %swap3A_157] {strides = array<i32>} : memref<128x64xf32, #tpu.memory_space<vmem>>, vector<1x16xf32>,
      %swap3A_159 = vector.shape_cast %swap3A_158 : vector<1x16xf32> to vector<16xf32>
      %swap3A_160 = vector.shape_cast %mul3A_151 : vector<16xf32> to vector<1x16xf32>
      tpu.vector_store %arg7[%swap3A_156, %swap3A_157], %swap3A_160 {strides = array<i32>} : memref<128x64xf32, #tpu.memory_space<vmem>>, vector<1x16xf32>,
      %mul3A_161 = vector.broadcast %scan3A : f32 to vector<16xf32>
      %mul3A_162 = arith.mulf %parallel_loop3A_73#8, %mul3A_161 : vector<16xf32>
      %mul3A_163 = arith.constant 4 : i32
      %mul3A_164 = arith.muli %add3A_59, %mul3A_163 : i32
      %add3A_165 = arith.constant 2 : i32
      %add3A_166 = arith.addi %mul3A_164, %add3A_165 : i32
      %swap3A_167 = arith.index_cast %add3A_166 : i32 to index
      %swap3A_168 = arith.constant 0 : index
      %swap3A_169 = tpu.vector_load %arg7[%swap3A_167, %swap3A_168] {strides = array<i32>} : memref<128x64xf32, #tpu.memory_space<vmem>>, vector<1x16xf32>,
      %swap3A_170 = vector.shape_cast %swap3A_169 : vector<1x16xf32> to vector<16xf32>
      %swap3A_171 = vector.shape_cast %mul3A_162 : vector<16xf32> to vector<1x16xf32>
      tpu.vector_store %arg7[%swap3A_167, %swap3A_168], %swap3A_171 {strides = array<i32>} : memref<128x64xf32, #tpu.memory_space<vmem>>, vector<1x16xf32>,
      %mul3A_172 = vector.broadcast %scan3A : f32 to vector<16xf32>
      %mul3A_173 = arith.mulf %parallel_loop3A_73#9, %mul3A_172 : vector<16xf32>
      %mul3A_174 = arith.constant 4 : i32
      %mul3A_175 = arith.muli %add3A_59, %mul3A_174 : i32
      %add3A_176 = arith.constant 2 : i32
      %add3A_177 = arith.addi %mul3A_175, %add3A_176 : i32
      %swap3A_178 = arith.index_cast %add3A_177 : i32 to index
      %swap3A_179 = arith.constant 16 : index
      %swap3A_180 = tpu.vector_load %arg7[%swap3A_178, %swap3A_179] {strides = array<i32>} : memref<128x64xf32, #tpu.memory_space<vmem>>, vector<1x16xf32>,
      %swap3A_181 = vector.shape_cast %swap3A_180 : vector<1x16xf32> to vector<16xf32>
      %swap3A_182 = vector.shape_cast %mul3A_173 : vector<16xf32> to vector<1x16xf32>
      tpu.vector_store %arg7[%swap3A_178, %swap3A_179], %swap3A_182 {strides = array<i32>} : memref<128x64xf32, #tpu.memory_space<vmem>>, vector<1x16xf32>,
      %mul3A_183 = vector.broadcast %scan3A : f32 to vector<16xf32>
      %mul3A_184 = arith.mulf %parallel_loop3A_73#10, %mul3A_183 : vector<16xf32>
      %mul3A_185 = arith.constant 4 : i32
      %mul3A_186 = arith.muli %add3A_59, %mul3A_185 : i32
      %add3A_187 = arith.constant 2 : i32
      %add3A_188 = arith.addi %mul3A_186, %add3A_187 : i32
      %swap3A_189 = arith.index_cast %add3A_188 : i32 to index
      %swap3A_190 = arith.constant 32 : index
      %swap3A_191 = tpu.vector_load %arg7[%swap3A_189, %swap3A_190] {strides = array<i32>} : memref<128x64xf32, #tpu.memory_space<vmem>>, vector<1x16xf32>,
      %swap3A_192 = vector.shape_cast %swap3A_191 : vector<1x16xf32> to vector<16xf32>
      %swap3A_193 = vector.shape_cast %mul3A_184 : vector<16xf32> to vector<1x16xf32>
      tpu.vector_store %arg7[%swap3A_189, %swap3A_190], %swap3A_193 {strides = array<i32>} : memref<128x64xf32, #tpu.memory_space<vmem>>, vector<1x16xf32>,
      %mul3A_194 = vector.broadcast %scan3A : f32 to vector<16xf32>
      %mul3A_195 = arith.mulf %parallel_loop3A_73#11, %mul3A_194 : vector<16xf32>
      %mul3A_196 = arith.constant 4 : i32
      %mul3A_197 = arith.muli %add3A_59, %mul3A_196 : i32
      %add3A_198 = arith.constant 2 : i32
      %add3A_199 = arith.addi %mul3A_197, %add3A_198 : i32
      %swap3A_200 = arith.index_cast %add3A_199 : i32 to index
      %swap3A_201 = arith.constant 48 : index
      %swap3A_202 = tpu.vector_load %arg7[%swap3A_200, %swap3A_201] {strides = array<i32>} : memref<128x64xf32, #tpu.memory_space<vmem>>, vector<1x16xf32>,
      %swap3A_203 = vector.shape_cast %swap3A_202 : vector<1x16xf32> to vector<16xf32>
      %swap3A_204 = vector.shape_cast %mul3A_195 : vector<16xf32> to vector<1x16xf32>
      tpu.vector_store %arg7[%swap3A_200, %swap3A_201], %swap3A_204 {strides = array<i32>} : memref<128x64xf32, #tpu.memory_space<vmem>>, vector<1x16xf32>,
      %mul3A_205 = vector.broadcast %scan3A : f32 to vector<16xf32>
      %mul3A_206 = arith.mulf %parallel_loop3A_73#12, %mul3A_205 : vector<16xf32>
      %mul3A_207 = arith.constant 4 : i32
      %mul3A_208 = arith.muli %add3A_59, %mul3A_207 : i32
      %add3A_209 = arith.constant 3 : i32
      %add3A_210 = arith.addi %mul3A_208, %add3A_209 : i32
      %swap3A_211 = arith.index_cast %add3A_210 : i32 to index
      %swap3A_212 = arith.constant 0 : index
      %swap3A_213 = tpu.vector_load %arg7[%swap3A_211, %swap3A_212] {strides = array<i32>} : memref<128x64xf32, #tpu.memory_space<vmem>>, vector<1x16xf32>,
      %swap3A_214 = vector.shape_cast %swap3A_213 : vector<1x16xf32> to vector<16xf32>
      %swap3A_215 = vector.shape_cast %mul3A_206 : vector<16xf32> to vector<1x16xf32>
      tpu.vector_store %arg7[%swap3A_211, %swap3A_212], %swap3A_215 {strides = array<i32>} : memref<128x64xf32, #tpu.memory_space<vmem>>, vector<1x16xf32>,
      %mul3A_216 = vector.broadcast %scan3A : f32 to vector<16xf32>
      %mul3A_217 = arith.mulf %parallel_loop3A_73#13, %mul3A_216 : vector<16xf32>
      %mul3A_218 = arith.constant 4 : i32
      %mul3A_219 = arith.muli %add3A_59, %mul3A_218 : i32
      %add3A_220 = arith.constant 3 : i32
      %add3A_221 = arith.addi %mul3A_219, %add3A_220 : i32
      %swap3A_222 = arith.index_cast %add3A_221 : i32 to index
      %swap3A_223 = arith.constant 16 : index
      %swap3A_224 = tpu.vector_load %arg7[%swap3A_222, %swap3A_223] {strides = array<i32>} : memref<128x64xf32, #tpu.memory_space<vmem>>, vector<1x16xf32>,
      %swap3A_225 = vector.shape_cast %swap3A_224 : vector<1x16xf32> to vector<16xf32>
      %swap3A_226 = vector.shape_cast %mul3A_217 : vector<16xf32> to vector<1x16xf32>
      tpu.vector_store %arg7[%swap3A_222, %swap3A_223], %swap3A_226 {strides = array<i32>} : memref<128x64xf32, #tpu.memory_space<vmem>>, vector<1x16xf32>,
      %mul3A_227 = vector.broadcast %scan3A : f32 to vector<16xf32>
      %mul3A_228 = arith.mulf %parallel_loop3A_73#14, %mul3A_227 : vector<16xf32>
      %mul3A_229 = arith.constant 4 : i32
      %mul3A_230 = arith.muli %add3A_59, %mul3A_229 : i32
      %add3A_231 = arith.constant 3 : i32
      %add3A_232 = arith.addi %mul3A_230, %add3A_231 : i32
      %swap3A_233 = arith.index_cast %add3A_232 : i32 to index
      %swap3A_234 = arith.constant 32 : index
      %swap3A_235 = tpu.vector_load %arg7[%swap3A_233, %swap3A_234] {strides = array<i32>} : memref<128x64xf32, #tpu.memory_space<vmem>>, vector<1x16xf32>,
      %swap3A_236 = vector.shape_cast %swap3A_235 : vector<1x16xf32> to vector<16xf32>
      %swap3A_237 = vector.shape_cast %mul3A_228 : vector<16xf32> to vector<1x16xf32>
      tpu.vector_store %arg7[%swap3A_233, %swap3A_234], %swap3A_237 {strides = array<i32>} : memref<128x64xf32, #tpu.memory_space<vmem>>, vector<1x16xf32>,
      %mul3A_238 = vector.broadcast %scan3A : f32 to vector<16xf32>
      %mul3A_239 = arith.mulf %parallel_loop3A_73#15, %mul3A_238 : vector<16xf32>
      %mul3A_240 = arith.constant 4 : i32
      %mul3A_241 = arith.muli %add3A_59, %mul3A_240 : i32
      %add3A_242 = arith.constant 3 : i32
      %add3A_243 = arith.addi %mul3A_241, %add3A_242 : i32
      %swap3A_244 = arith.index_cast %add3A_243 : i32 to index
      %swap3A_245 = arith.constant 48 : index
      %swap3A_246 = tpu.vector_load %arg7[%swap3A_244, %swap3A_245] {strides = array<i32>} : memref<128x64xf32, #tpu.memory_space<vmem>>, vector<1x16xf32>,
      %swap3A_247 = vector.shape_cast %swap3A_246 : vector<1x16xf32> to vector<16xf32>
      %swap3A_248 = vector.shape_cast %mul3A_239 : vector<16xf32> to vector<1x16xf32>
      tpu.vector_store %arg7[%swap3A_244, %swap3A_245], %swap3A_248 {strides = array<i32>} : memref<128x64xf32, #tpu.memory_space<vmem>>, vector<1x16xf32>,
      %add3A_249 = arith.constant 4 : i32
      %add3A_250 = arith.addi %add3A_59, %add3A_249 : i32
      %lt3A = arith.constant 32 : i32
      %lt3A_251 = arith.cmpi slt, %add3A_250, %lt3A : i32
      %convert_element_type3A = arith.extui %lt3A_251 : i1 to i32
      %cond3A = arith.constant 0 : i32
      %cond3A_252 = arith.cmpi ne, %convert_element_type3A, %cond3A : i32
      scf.if %cond3A_252 {
        %add3A_865 = arith.constant 4 : i32
        %add3A_866 = arith.addi %add3A_59, %add3A_865 : i32
        %dma_start3A_867 = arith.constant 0 : i32
        %dma_start3A_868 = arith.constant 0 : i32
        %dma_start3A_869 = arith.constant 0 : i32
        %dma_start3A_870 = tpu.memref_slice %arg6[%dma_start3A_867, %dma_start3A_868, %dma_start3A_869] : memref<4x200x64xf32, #tpu.memory_space<vmem>> -> memref<1x200x64xf32, #tpu.memory_space<vmem>>
        %dma_start3A_871 = tpu.memref_squeeze %dma_start3A_870 : memref<1x200x64xf32, #tpu.memory_space<vmem>> -> memref<200x64xf32, #tpu.memory_space<vmem>>
        %dma_start3A_872 = arith.constant 0 : i32
        %dma_start3A_873 = tpu.memref_slice %arg5[%add3A_866, %dma_start3A_872] : memref<32x200xi32, #tpu.memory_space<vmem>> -> memref<1x200xi32, #tpu.memory_space<vmem>>
        %dma_start3A_874 = tpu.memref_squeeze %dma_start3A_873 : memref<1x200xi32, #tpu.memory_space<vmem>> -> memref<200xi32, #tpu.memory_space<vmem>>
        %dma_start3A_875 = arith.constant 0 : i32
        %dma_start3A_876 = arith.constant 0 : i32
        %dma_start3A_877 = tpu.memref_slice %arg3[%dma_start3A_875, %dma_start3A_876] : memref<100000x64xf32, #tpu.memory_space<hbm>> -> memref<100000x64xf32, #tpu.memory_space<hbm>>
        tpu.enqueue_indirect_dma source(%dma_start3A_877 : memref<100000x64xf32, #tpu.memory_space<hbm>>) target(%dma_start3A_871 : memref<200x64xf32, #tpu.memory_space<vmem>>) offsets(%dma_start3A_874 : memref<200xi32, #tpu.memory_space<vmem>>) semaphore(%arg8 : memref<!tpu.dma_semaphore, #tpu.memory_space<semaphore_mem>>)
      } else {
      }
      %mul3A_253 = arith.constant 4 : i32
      %mul3A_254 = arith.muli %scan3A_55, %mul3A_253 : i32
      %add3A_255 = arith.constant 1 : i32
      %add3A_256 = arith.addi %mul3A_254, %add3A_255 : i32
      %dma_wait3A_257 = arith.constant 1 : i32
      %dma_wait3A_258 = arith.constant 0 : i32
      %dma_wait3A_259 = arith.constant 0 : i32
      %dma_wait3A_260 = tpu.memref_slice %arg6[%dma_wait3A_257, %dma_wait3A_258, %dma_wait3A_259] : memref<4x200x64xf32, #tpu.memory_space<vmem>> -> memref<1x200x64xf32, #tpu.memory_space<vmem>>
      %dma_wait3A_261 = tpu.memref_squeeze %dma_wait3A_260 : memref<1x200x64xf32, #tpu.memory_space<vmem>> -> memref<200x64xf32, #tpu.memory_space<vmem>>
      %dma_wait3A_262 = arith.constant 0 : i32
      %dma_wait3A_263 = tpu.memref_slice %arg5[%add3A_256, %dma_wait3A_262] : memref<32x200xi32, #tpu.memory_space<vmem>> -> memref<1x200xi32, #tpu.memory_space<vmem>>
      %dma_wait3A_264 = tpu.memref_squeeze %dma_wait3A_263 : memref<1x200xi32, #tpu.memory_space<vmem>> -> memref<200xi32, #tpu.memory_space<vmem>>
      %dma_wait3A_265 = arith.constant 0 : i32
      %dma_wait3A_266 = arith.constant 0 : i32
      %dma_wait3A_267 = tpu.memref_slice %arg3[%dma_wait3A_265, %dma_wait3A_266] : memref<100000x64xf32, #tpu.memory_space<hbm>> -> memref<100000x64xf32, #tpu.memory_space<hbm>>
      tpu.wait_indirect_dma semaphore(%arg9 : memref<!tpu.dma_semaphore, #tpu.memory_space<semaphore_mem>>) src(%dma_wait3A_267 : memref<100000x64xf32, #tpu.memory_space<hbm>>) dst(%dma_wait3A_261 : memref<200x64xf32, #tpu.memory_space<vmem>>)
      %broadcast_in_dim3A_268 = arith.constant 0.000000e+00 : f32
      %broadcast_in_dim3A_269 = vector.broadcast %broadcast_in_dim3A_268 : f32 to vector<16xf32>
      %parallel_loop3A_270 = arith.constant 0 : i32
      %parallel_loop3A_271 = arith.constant 50 : i32
      %parallel_loop3A_272 = arith.constant 1 : i32
      %parallel_loop3A_273:16 = scf.for %parallel_loop3A_865 = %parallel_loop3A_270 to %parallel_loop3A_271 step %parallel_loop3A_272 iter_args(%parallel_loop3A_866 = %broadcast_in_dim3A_269, %parallel_loop3A_867 = %broadcast_in_dim3A_269, %parallel_loop3A_868 = %broadcast_in_dim3A_269, %parallel_loop3A_869 = %broadcast_in_dim3A_269, %parallel_loop3A_870 = %broadcast_in_dim3A_269, %parallel_loop3A_871 = %broadcast_in_dim3A_269, %parallel_loop3A_872 = %broadcast_in_dim3A_269, %parallel_loop3A_873 = %broadcast_in_dim3A_269, %parallel_loop3A_874 = %broadcast_in_dim3A_269, %parallel_loop3A_875 = %broadcast_in_dim3A_269, %parallel_loop3A_876 = %broadcast_in_dim3A_269, %parallel_loop3A_877 = %broadcast_in_dim3A_269, %parallel_loop3A_878 = %broadcast_in_dim3A_269, %parallel_loop3A_879 = %broadcast_in_dim3A_269, %parallel_loop3A_880 = %broadcast_in_dim3A_269, %parallel_loop3A_881 = %broadcast_in_dim3A_269) -> (vector<16xf32>, vector<16xf32>, vector<16xf32>, vector<16xf32>, vector<16xf32>, vector<16xf32>, vector<16xf32>, vector<16xf32>, vector<16xf32>, vector<16xf32>, vector<16xf32>, vector<16xf32>, vector<16xf32>, vector<16xf32>, vector<16xf32>, vector<16xf32>)  : i32 {
        %parallel_loop3A_882 = arith.constant 0 : i32
        %parallel_loop3A_883 = arith.addi %parallel_loop3A_882, %parallel_loop3A_865 : i32
        %parallel_loop3A_884 = arith.constant 1 : i32
        %parallel_loop3A_885 = arith.index_cast %parallel_loop3A_884 : i32 to index
        %parallel_loop3A_886 = arith.index_cast %parallel_loop3A_883 : i32 to index
        %parallel_loop3A_887 = arith.constant 0 : index
        %parallel_loop3A_888 = tpu.vector_load %arg6[%parallel_loop3A_885, %parallel_loop3A_886, %parallel_loop3A_887] {strides = array<i32>} : memref<4x200x64xf32, #tpu.memory_space<vmem>>, vector<1x1x16xf32>,
        %parallel_loop3A_889 = vector.shape_cast %parallel_loop3A_888 : vector<1x1x16xf32> to vector<16xf32>
        %parallel_loop3A_890 = arith.addf %parallel_loop3A_866, %parallel_loop3A_889 : vector<16xf32>
        %parallel_loop3A_891 = arith.constant 0 : i32
        %parallel_loop3A_892 = arith.addi %parallel_loop3A_891, %parallel_loop3A_865 : i32
        %parallel_loop3A_893 = arith.constant 1 : i32
        %parallel_loop3A_894 = arith.index_cast %parallel_loop3A_893 : i32 to index
        %parallel_loop3A_895 = arith.index_cast %parallel_loop3A_892 : i32 to index
        %parallel_loop3A_896 = arith.constant 16 : index
        %parallel_loop3A_897 = tpu.vector_load %arg6[%parallel_loop3A_894, %parallel_loop3A_895, %parallel_loop3A_896] {strides = array<i32>} : memref<4x200x64xf32, #tpu.memory_space<vmem>>, vector<1x1x16xf32>,
        %parallel_loop3A_898 = vector.shape_cast %parallel_loop3A_897 : vector<1x1x16xf32> to vector<16xf32>
        %parallel_loop3A_899 = arith.addf %parallel_loop3A_867, %parallel_loop3A_898 : vector<16xf32>
        %parallel_loop3A_900 = arith.constant 0 : i32
        %parallel_loop3A_901 = arith.addi %parallel_loop3A_900, %parallel_loop3A_865 : i32
        %parallel_loop3A_902 = arith.constant 1 : i32
        %parallel_loop3A_903 = arith.index_cast %parallel_loop3A_902 : i32 to index
        %parallel_loop3A_904 = arith.index_cast %parallel_loop3A_901 : i32 to index
        %parallel_loop3A_905 = arith.constant 32 : index
        %parallel_loop3A_906 = tpu.vector_load %arg6[%parallel_loop3A_903, %parallel_loop3A_904, %parallel_loop3A_905] {strides = array<i32>} : memref<4x200x64xf32, #tpu.memory_space<vmem>>, vector<1x1x16xf32>,
        %parallel_loop3A_907 = vector.shape_cast %parallel_loop3A_906 : vector<1x1x16xf32> to vector<16xf32>
        %parallel_loop3A_908 = arith.addf %parallel_loop3A_868, %parallel_loop3A_907 : vector<16xf32>
        %parallel_loop3A_909 = arith.constant 0 : i32
        %parallel_loop3A_910 = arith.addi %parallel_loop3A_909, %parallel_loop3A_865 : i32
        %parallel_loop3A_911 = arith.constant 1 : i32
        %parallel_loop3A_912 = arith.index_cast %parallel_loop3A_911 : i32 to index
        %parallel_loop3A_913 = arith.index_cast %parallel_loop3A_910 : i32 to index
        %parallel_loop3A_914 = arith.constant 48 : index
        %parallel_loop3A_915 = tpu.vector_load %arg6[%parallel_loop3A_912, %parallel_loop3A_913, %parallel_loop3A_914] {strides = array<i32>} : memref<4x200x64xf32, #tpu.memory_space<vmem>>, vector<1x1x16xf32>,
        %parallel_loop3A_916 = vector.shape_cast %parallel_loop3A_915 : vector<1x1x16xf32> to vector<16xf32>
        %parallel_loop3A_917 = arith.addf %parallel_loop3A_869, %parallel_loop3A_916 : vector<16xf32>
        %parallel_loop3A_918 = arith.constant 50 : i32
        %parallel_loop3A_919 = arith.addi %parallel_loop3A_918, %parallel_loop3A_865 : i32
        %parallel_loop3A_920 = arith.constant 1 : i32
        %parallel_loop3A_921 = arith.index_cast %parallel_loop3A_920 : i32 to index
        %parallel_loop3A_922 = arith.index_cast %parallel_loop3A_919 : i32 to index
        %parallel_loop3A_923 = arith.constant 0 : index
        %parallel_loop3A_924 = tpu.vector_load %arg6[%parallel_loop3A_921, %parallel_loop3A_922, %parallel_loop3A_923] {strides = array<i32>} : memref<4x200x64xf32, #tpu.memory_space<vmem>>, vector<1x1x16xf32>,
        %parallel_loop3A_925 = vector.shape_cast %parallel_loop3A_924 : vector<1x1x16xf32> to vector<16xf32>
        %parallel_loop3A_926 = arith.addf %parallel_loop3A_870, %parallel_loop3A_925 : vector<16xf32>
        %parallel_loop3A_927 = arith.constant 50 : i32
        %parallel_loop3A_928 = arith.addi %parallel_loop3A_927, %parallel_loop3A_865 : i32
        %parallel_loop3A_929 = arith.constant 1 : i32
        %parallel_loop3A_930 = arith.index_cast %parallel_loop3A_929 : i32 to index
        %parallel_loop3A_931 = arith.index_cast %parallel_loop3A_928 : i32 to index
        %parallel_loop3A_932 = arith.constant 16 : index
        %parallel_loop3A_933 = tpu.vector_load %arg6[%parallel_loop3A_930, %parallel_loop3A_931, %parallel_loop3A_932] {strides = array<i32>} : memref<4x200x64xf32, #tpu.memory_space<vmem>>, vector<1x1x16xf32>,
        %parallel_loop3A_934 = vector.shape_cast %parallel_loop3A_933 : vector<1x1x16xf32> to vector<16xf32>
        %parallel_loop3A_935 = arith.addf %parallel_loop3A_871, %parallel_loop3A_934 : vector<16xf32>
        %parallel_loop3A_936 = arith.constant 50 : i32
        %parallel_loop3A_937 = arith.addi %parallel_loop3A_936, %parallel_loop3A_865 : i32
        %parallel_loop3A_938 = arith.constant 1 : i32
        %parallel_loop3A_939 = arith.index_cast %parallel_loop3A_938 : i32 to index
        %parallel_loop3A_940 = arith.index_cast %parallel_loop3A_937 : i32 to index
        %parallel_loop3A_941 = arith.constant 32 : index
        %parallel_loop3A_942 = tpu.vector_load %arg6[%parallel_loop3A_939, %parallel_loop3A_940, %parallel_loop3A_941] {strides = array<i32>} : memref<4x200x64xf32, #tpu.memory_space<vmem>>, vector<1x1x16xf32>,
        %parallel_loop3A_943 = vector.shape_cast %parallel_loop3A_942 : vector<1x1x16xf32> to vector<16xf32>
        %parallel_loop3A_944 = arith.addf %parallel_loop3A_872, %parallel_loop3A_943 : vector<16xf32>
        %parallel_loop3A_945 = arith.constant 50 : i32
        %parallel_loop3A_946 = arith.addi %parallel_loop3A_945, %parallel_loop3A_865 : i32
        %parallel_loop3A_947 = arith.constant 1 : i32
        %parallel_loop3A_948 = arith.index_cast %parallel_loop3A_947 : i32 to index
        %parallel_loop3A_949 = arith.index_cast %parallel_loop3A_946 : i32 to index
        %parallel_loop3A_950 = arith.constant 48 : index
        %parallel_loop3A_951 = tpu.vector_load %arg6[%parallel_loop3A_948, %parallel_loop3A_949, %parallel_loop3A_950] {strides = array<i32>} : memref<4x200x64xf32, #tpu.memory_space<vmem>>, vector<1x1x16xf32>,
        %parallel_loop3A_952 = vector.shape_cast %parallel_loop3A_951 : vector<1x1x16xf32> to vector<16xf32>
        %parallel_loop3A_953 = arith.addf %parallel_loop3A_873, %parallel_loop3A_952 : vector<16xf32>
        %parallel_loop3A_954 = arith.constant 100 : i32
        %parallel_loop3A_955 = arith.addi %parallel_loop3A_954, %parallel_loop3A_865 : i32
        %parallel_loop3A_956 = arith.constant 1 : i32
        %parallel_loop3A_957 = arith.index_cast %parallel_loop3A_956 : i32 to index
        %parallel_loop3A_958 = arith.index_cast %parallel_loop3A_955 : i32 to index
        %parallel_loop3A_959 = arith.constant 0 : index
        %parallel_loop3A_960 = tpu.vector_load %arg6[%parallel_loop3A_957, %parallel_loop3A_958, %parallel_loop3A_959] {strides = array<i32>} : memref<4x200x64xf32, #tpu.memory_space<vmem>>, vector<1x1x16xf32>,
        %parallel_loop3A_961 = vector.shape_cast %parallel_loop3A_960 : vector<1x1x16xf32> to vector<16xf32>
        %parallel_loop3A_962 = arith.addf %parallel_loop3A_874, %parallel_loop3A_961 : vector<16xf32>
        %parallel_loop3A_963 = arith.constant 100 : i32
        %parallel_loop3A_964 = arith.addi %parallel_loop3A_963, %parallel_loop3A_865 : i32
        %parallel_loop3A_965 = arith.constant 1 : i32
        %parallel_loop3A_966 = arith.index_cast %parallel_loop3A_965 : i32 to index
        %parallel_loop3A_967 = arith.index_cast %parallel_loop3A_964 : i32 to index
        %parallel_loop3A_968 = arith.constant 16 : index
        %parallel_loop3A_969 = tpu.vector_load %arg6[%parallel_loop3A_966, %parallel_loop3A_967, %parallel_loop3A_968] {strides = array<i32>} : memref<4x200x64xf32, #tpu.memory_space<vmem>>, vector<1x1x16xf32>,
        %parallel_loop3A_970 = vector.shape_cast %parallel_loop3A_969 : vector<1x1x16xf32> to vector<16xf32>
        %parallel_loop3A_971 = arith.addf %parallel_loop3A_875, %parallel_loop3A_970 : vector<16xf32>
        %parallel_loop3A_972 = arith.constant 100 : i32
        %parallel_loop3A_973 = arith.addi %parallel_loop3A_972, %parallel_loop3A_865 : i32
        %parallel_loop3A_974 = arith.constant 1 : i32
        %parallel_loop3A_975 = arith.index_cast %parallel_loop3A_974 : i32 to index
        %parallel_loop3A_976 = arith.index_cast %parallel_loop3A_973 : i32 to index
        %parallel_loop3A_977 = arith.constant 32 : index
        %parallel_loop3A_978 = tpu.vector_load %arg6[%parallel_loop3A_975, %parallel_loop3A_976, %parallel_loop3A_977] {strides = array<i32>} : memref<4x200x64xf32, #tpu.memory_space<vmem>>, vector<1x1x16xf32>,
        %parallel_loop3A_979 = vector.shape_cast %parallel_loop3A_978 : vector<1x1x16xf32> to vector<16xf32>
        %parallel_loop3A_980 = arith.addf %parallel_loop3A_876, %parallel_loop3A_979 : vector<16xf32>
        %parallel_loop3A_981 = arith.constant 100 : i32
        %parallel_loop3A_982 = arith.addi %parallel_loop3A_981, %parallel_loop3A_865 : i32
        %parallel_loop3A_983 = arith.constant 1 : i32
        %parallel_loop3A_984 = arith.index_cast %parallel_loop3A_983 : i32 to index
        %parallel_loop3A_985 = arith.index_cast %parallel_loop3A_982 : i32 to index
        %parallel_loop3A_986 = arith.constant 48 : index
        %parallel_loop3A_987 = tpu.vector_load %arg6[%parallel_loop3A_984, %parallel_loop3A_985, %parallel_loop3A_986] {strides = array<i32>} : memref<4x200x64xf32, #tpu.memory_space<vmem>>, vector<1x1x16xf32>,
        %parallel_loop3A_988 = vector.shape_cast %parallel_loop3A_987 : vector<1x1x16xf32> to vector<16xf32>
        %parallel_loop3A_989 = arith.addf %parallel_loop3A_877, %parallel_loop3A_988 : vector<16xf32>
        %parallel_loop3A_990 = arith.constant 150 : i32
        %parallel_loop3A_991 = arith.addi %parallel_loop3A_990, %parallel_loop3A_865 : i32
        %parallel_loop3A_992 = arith.constant 1 : i32
        %parallel_loop3A_993 = arith.index_cast %parallel_loop3A_992 : i32 to index
        %parallel_loop3A_994 = arith.index_cast %parallel_loop3A_991 : i32 to index
        %parallel_loop3A_995 = arith.constant 0 : index
        %parallel_loop3A_996 = tpu.vector_load %arg6[%parallel_loop3A_993, %parallel_loop3A_994, %parallel_loop3A_995] {strides = array<i32>} : memref<4x200x64xf32, #tpu.memory_space<vmem>>, vector<1x1x16xf32>,
        %parallel_loop3A_997 = vector.shape_cast %parallel_loop3A_996 : vector<1x1x16xf32> to vector<16xf32>
        %parallel_loop3A_998 = arith.addf %parallel_loop3A_878, %parallel_loop3A_997 : vector<16xf32>
        %parallel_loop3A_999 = arith.constant 150 : i32
        %parallel_loop3A_1000 = arith.addi %parallel_loop3A_999, %parallel_loop3A_865 : i32
        %parallel_loop3A_1001 = arith.constant 1 : i32
        %parallel_loop3A_1002 = arith.index_cast %parallel_loop3A_1001 : i32 to index
        %parallel_loop3A_1003 = arith.index_cast %parallel_loop3A_1000 : i32 to index
        %parallel_loop3A_1004 = arith.constant 16 : index
        %parallel_loop3A_1005 = tpu.vector_load %arg6[%parallel_loop3A_1002, %parallel_loop3A_1003, %parallel_loop3A_1004] {strides = array<i32>} : memref<4x200x64xf32, #tpu.memory_space<vmem>>, vector<1x1x16xf32>,
        %parallel_loop3A_1006 = vector.shape_cast %parallel_loop3A_1005 : vector<1x1x16xf32> to vector<16xf32>
        %parallel_loop3A_1007 = arith.addf %parallel_loop3A_879, %parallel_loop3A_1006 : vector<16xf32>
        %parallel_loop3A_1008 = arith.constant 150 : i32
        %parallel_loop3A_1009 = arith.addi %parallel_loop3A_1008, %parallel_loop3A_865 : i32
        %parallel_loop3A_1010 = arith.constant 1 : i32
        %parallel_loop3A_1011 = arith.index_cast %parallel_loop3A_1010 : i32 to index
        %parallel_loop3A_1012 = arith.index_cast %parallel_loop3A_1009 : i32 to index
        %parallel_loop3A_1013 = arith.constant 32 : index
        %parallel_loop3A_1014 = tpu.vector_load %arg6[%parallel_loop3A_1011, %parallel_loop3A_1012, %parallel_loop3A_1013] {strides = array<i32>} : memref<4x200x64xf32, #tpu.memory_space<vmem>>, vector<1x1x16xf32>,
        %parallel_loop3A_1015 = vector.shape_cast %parallel_loop3A_1014 : vector<1x1x16xf32> to vector<16xf32>
        %parallel_loop3A_1016 = arith.addf %parallel_loop3A_880, %parallel_loop3A_1015 : vector<16xf32>
        %parallel_loop3A_1017 = arith.constant 150 : i32
        %parallel_loop3A_1018 = arith.addi %parallel_loop3A_1017, %parallel_loop3A_865 : i32
        %parallel_loop3A_1019 = arith.constant 1 : i32
        %parallel_loop3A_1020 = arith.index_cast %parallel_loop3A_1019 : i32 to index
        %parallel_loop3A_1021 = arith.index_cast %parallel_loop3A_1018 : i32 to index
        %parallel_loop3A_1022 = arith.constant 48 : index
        %parallel_loop3A_1023 = tpu.vector_load %arg6[%parallel_loop3A_1020, %parallel_loop3A_1021, %parallel_loop3A_1022] {strides = array<i32>} : memref<4x200x64xf32, #tpu.memory_space<vmem>>, vector<1x1x16xf32>,
        %parallel_loop3A_1024 = vector.shape_cast %parallel_loop3A_1023 : vector<1x1x16xf32> to vector<16xf32>
        %parallel_loop3A_1025 = arith.addf %parallel_loop3A_881, %parallel_loop3A_1024 : vector<16xf32>
        scf.yield %parallel_loop3A_890, %parallel_loop3A_899, %parallel_loop3A_908, %parallel_loop3A_917, %parallel_loop3A_926, %parallel_loop3A_935, %parallel_loop3A_944, %parallel_loop3A_953, %parallel_loop3A_962, %parallel_loop3A_971, %parallel_loop3A_980, %parallel_loop3A_989, %parallel_loop3A_998, %parallel_loop3A_1007, %parallel_loop3A_1016, %parallel_loop3A_1025 : vector<16xf32>, vector<16xf32>, vector<16xf32>, vector<16xf32>, vector<16xf32>, vector<16xf32>, vector<16xf32>, vector<16xf32>, vector<16xf32>, vector<16xf32>, vector<16xf32>, vector<16xf32>, vector<16xf32>, vector<16xf32>, vector<16xf32>, vector<16xf32>
      } {sc.loop_unroll_factor = 5 : i64, sc.parallel_access}
      %mul3A_274 = vector.broadcast %scan3A : f32 to vector<16xf32>
      %mul3A_275 = arith.mulf %parallel_loop3A_273#0, %mul3A_274 : vector<16xf32>
      %mul3A_276 = arith.constant 4 : i32
      %mul3A_277 = arith.muli %add3A_256, %mul3A_276 : i32
      %add3A_278 = arith.constant 0 : i32
      %add3A_279 = arith.addi %mul3A_277, %add3A_278 : i32
      %swap3A_280 = arith.index_cast %add3A_279 : i32 to index
      %swap3A_281 = arith.constant 0 : index
      %swap3A_282 = tpu.vector_load %arg7[%swap3A_280, %swap3A_281] {strides = array<i32>} : memref<128x64xf32, #tpu.memory_space<vmem>>, vector<1x16xf32>,
      %swap3A_283 = vector.shape_cast %swap3A_282 : vector<1x16xf32> to vector<16xf32>
      %swap3A_284 = vector.shape_cast %mul3A_275 : vector<16xf32> to vector<1x16xf32>
      tpu.vector_store %arg7[%swap3A_280, %swap3A_281], %swap3A_284 {strides = array<i32>} : memref<128x64xf32, #tpu.memory_space<vmem>>, vector<1x16xf32>,
      %mul3A_285 = vector.broadcast %scan3A : f32 to vector<16xf32>
      %mul3A_286 = arith.mulf %parallel_loop3A_273#1, %mul3A_285 : vector<16xf32>
      %mul3A_287 = arith.constant 4 : i32
      %mul3A_288 = arith.muli %add3A_256, %mul3A_287 : i32
      %add3A_289 = arith.constant 0 : i32
      %add3A_290 = arith.addi %mul3A_288, %add3A_289 : i32
      %swap3A_291 = arith.index_cast %add3A_290 : i32 to index
      %swap3A_292 = arith.constant 16 : index
      %swap3A_293 = tpu.vector_load %arg7[%swap3A_291, %swap3A_292] {strides = array<i32>} : memref<128x64xf32, #tpu.memory_space<vmem>>, vector<1x16xf32>,
      %swap3A_294 = vector.shape_cast %swap3A_293 : vector<1x16xf32> to vector<16xf32>
      %swap3A_295 = vector.shape_cast %mul3A_286 : vector<16xf32> to vector<1x16xf32>
      tpu.vector_store %arg7[%swap3A_291, %swap3A_292], %swap3A_295 {strides = array<i32>} : memref<128x64xf32, #tpu.memory_space<vmem>>, vector<1x16xf32>,
      %mul3A_296 = vector.broadcast %scan3A : f32 to vector<16xf32>
      %mul3A_297 = arith.mulf %parallel_loop3A_273#2, %mul3A_296 : vector<16xf32>
      %mul3A_298 = arith.constant 4 : i32
      %mul3A_299 = arith.muli %add3A_256, %mul3A_298 : i32
      %add3A_300 = arith.constant 0 : i32
      %add3A_301 = arith.addi %mul3A_299, %add3A_300 : i32
      %swap3A_302 = arith.index_cast %add3A_301 : i32 to index
      %swap3A_303 = arith.constant 32 : index
      %swap3A_304 = tpu.vector_load %arg7[%swap3A_302, %swap3A_303] {strides = array<i32>} : memref<128x64xf32, #tpu.memory_space<vmem>>, vector<1x16xf32>,
      %swap3A_305 = vector.shape_cast %swap3A_304 : vector<1x16xf32> to vector<16xf32>
      %swap3A_306 = vector.shape_cast %mul3A_297 : vector<16xf32> to vector<1x16xf32>
      tpu.vector_store %arg7[%swap3A_302, %swap3A_303], %swap3A_306 {strides = array<i32>} : memref<128x64xf32, #tpu.memory_space<vmem>>, vector<1x16xf32>,
      %mul3A_307 = vector.broadcast %scan3A : f32 to vector<16xf32>
      %mul3A_308 = arith.mulf %parallel_loop3A_273#3, %mul3A_307 : vector<16xf32>
      %mul3A_309 = arith.constant 4 : i32
      %mul3A_310 = arith.muli %add3A_256, %mul3A_309 : i32
      %add3A_311 = arith.constant 0 : i32
      %add3A_312 = arith.addi %mul3A_310, %add3A_311 : i32
      %swap3A_313 = arith.index_cast %add3A_312 : i32 to index
      %swap3A_314 = arith.constant 48 : index
      %swap3A_315 = tpu.vector_load %arg7[%swap3A_313, %swap3A_314] {strides = array<i32>} : memref<128x64xf32, #tpu.memory_space<vmem>>, vector<1x16xf32>,
      %swap3A_316 = vector.shape_cast %swap3A_315 : vector<1x16xf32> to vector<16xf32>
      %swap3A_317 = vector.shape_cast %mul3A_308 : vector<16xf32> to vector<1x16xf32>
      tpu.vector_store %arg7[%swap3A_313, %swap3A_314], %swap3A_317 {strides = array<i32>} : memref<128x64xf32, #tpu.memory_space<vmem>>, vector<1x16xf32>,
      %mul3A_318 = vector.broadcast %scan3A : f32 to vector<16xf32>
      %mul3A_319 = arith.mulf %parallel_loop3A_273#4, %mul3A_318 : vector<16xf32>
      %mul3A_320 = arith.constant 4 : i32
      %mul3A_321 = arith.muli %add3A_256, %mul3A_320 : i32
      %add3A_322 = arith.constant 1 : i32
      %add3A_323 = arith.addi %mul3A_321, %add3A_322 : i32
      %swap3A_324 = arith.index_cast %add3A_323 : i32 to index
      %swap3A_325 = arith.constant 0 : index
      %swap3A_326 = tpu.vector_load %arg7[%swap3A_324, %swap3A_325] {strides = array<i32>} : memref<128x64xf32, #tpu.memory_space<vmem>>, vector<1x16xf32>,
      %swap3A_327 = vector.shape_cast %swap3A_326 : vector<1x16xf32> to vector<16xf32>
      %swap3A_328 = vector.shape_cast %mul3A_319 : vector<16xf32> to vector<1x16xf32>
      tpu.vector_store %arg7[%swap3A_324, %swap3A_325], %swap3A_328 {strides = array<i32>} : memref<128x64xf32, #tpu.memory_space<vmem>>, vector<1x16xf32>,
      %mul3A_329 = vector.broadcast %scan3A : f32 to vector<16xf32>
      %mul3A_330 = arith.mulf %parallel_loop3A_273#5, %mul3A_329 : vector<16xf32>
      %mul3A_331 = arith.constant 4 : i32
      %mul3A_332 = arith.muli %add3A_256, %mul3A_331 : i32
      %add3A_333 = arith.constant 1 : i32
      %add3A_334 = arith.addi %mul3A_332, %add3A_333 : i32
      %swap3A_335 = arith.index_cast %add3A_334 : i32 to index
      %swap3A_336 = arith.constant 16 : index
      %swap3A_337 = tpu.vector_load %arg7[%swap3A_335, %swap3A_336] {strides = array<i32>} : memref<128x64xf32, #tpu.memory_space<vmem>>, vector<1x16xf32>,
      %swap3A_338 = vector.shape_cast %swap3A_337 : vector<1x16xf32> to vector<16xf32>
      %swap3A_339 = vector.shape_cast %mul3A_330 : vector<16xf32> to vector<1x16xf32>
      tpu.vector_store %arg7[%swap3A_335, %swap3A_336], %swap3A_339 {strides = array<i32>} : memref<128x64xf32, #tpu.memory_space<vmem>>, vector<1x16xf32>,
      %mul3A_340 = vector.broadcast %scan3A : f32 to vector<16xf32>
      %mul3A_341 = arith.mulf %parallel_loop3A_273#6, %mul3A_340 : vector<16xf32>
      %mul3A_342 = arith.constant 4 : i32
      %mul3A_343 = arith.muli %add3A_256, %mul3A_342 : i32
      %add3A_344 = arith.constant 1 : i32
      %add3A_345 = arith.addi %mul3A_343, %add3A_344 : i32
      %swap3A_346 = arith.index_cast %add3A_345 : i32 to index
      %swap3A_347 = arith.constant 32 : index
      %swap3A_348 = tpu.vector_load %arg7[%swap3A_346, %swap3A_347] {strides = array<i32>} : memref<128x64xf32, #tpu.memory_space<vmem>>, vector<1x16xf32>,
      %swap3A_349 = vector.shape_cast %swap3A_348 : vector<1x16xf32> to vector<16xf32>
      %swap3A_350 = vector.shape_cast %mul3A_341 : vector<16xf32> to vector<1x16xf32>
      tpu.vector_store %arg7[%swap3A_346, %swap3A_347], %swap3A_350 {strides = array<i32>} : memref<128x64xf32, #tpu.memory_space<vmem>>, vector<1x16xf32>,
      %mul3A_351 = vector.broadcast %scan3A : f32 to vector<16xf32>
      %mul3A_352 = arith.mulf %parallel_loop3A_273#7, %mul3A_351 : vector<16xf32>
      %mul3A_353 = arith.constant 4 : i32
      %mul3A_354 = arith.muli %add3A_256, %mul3A_353 : i32
      %add3A_355 = arith.constant 1 : i32
      %add3A_356 = arith.addi %mul3A_354, %add3A_355 : i32
      %swap3A_357 = arith.index_cast %add3A_356 : i32 to index
      %swap3A_358 = arith.constant 48 : index
      %swap3A_359 = tpu.vector_load %arg7[%swap3A_357, %swap3A_358] {strides = array<i32>} : memref<128x64xf32, #tpu.memory_space<vmem>>, vector<1x16xf32>,
      %swap3A_360 = vector.shape_cast %swap3A_359 : vector<1x16xf32> to vector<16xf32>
      %swap3A_361 = vector.shape_cast %mul3A_352 : vector<16xf32> to vector<1x16xf32>
      tpu.vector_store %arg7[%swap3A_357, %swap3A_358], %swap3A_361 {strides = array<i32>} : memref<128x64xf32, #tpu.memory_space<vmem>>, vector<1x16xf32>,
      %mul3A_362 = vector.broadcast %scan3A : f32 to vector<16xf32>
      %mul3A_363 = arith.mulf %parallel_loop3A_273#8, %mul3A_362 : vector<16xf32>
      %mul3A_364 = arith.constant 4 : i32
      %mul3A_365 = arith.muli %add3A_256, %mul3A_364 : i32
      %add3A_366 = arith.constant 2 : i32
      %add3A_367 = arith.addi %mul3A_365, %add3A_366 : i32
      %swap3A_368 = arith.index_cast %add3A_367 : i32 to index
      %swap3A_369 = arith.constant 0 : index
      %swap3A_370 = tpu.vector_load %arg7[%swap3A_368, %swap3A_369] {strides = array<i32>} : memref<128x64xf32, #tpu.memory_space<vmem>>, vector<1x16xf32>,
      %swap3A_371 = vector.shape_cast %swap3A_370 : vector<1x16xf32> to vector<16xf32>
      %swap3A_372 = vector.shape_cast %mul3A_363 : vector<16xf32> to vector<1x16xf32>
      tpu.vector_store %arg7[%swap3A_368, %swap3A_369], %swap3A_372 {strides = array<i32>} : memref<128x64xf32, #tpu.memory_space<vmem>>, vector<1x16xf32>,
      %mul3A_373 = vector.broadcast %scan3A : f32 to vector<16xf32>
      %mul3A_374 = arith.mulf %parallel_loop3A_273#9, %mul3A_373 : vector<16xf32>
      %mul3A_375 = arith.constant 4 : i32
      %mul3A_376 = arith.muli %add3A_256, %mul3A_375 : i32
      %add3A_377 = arith.constant 2 : i32
      %add3A_378 = arith.addi %mul3A_376, %add3A_377 : i32
      %swap3A_379 = arith.index_cast %add3A_378 : i32 to index
      %swap3A_380 = arith.constant 16 : index
      %swap3A_381 = tpu.vector_load %arg7[%swap3A_379, %swap3A_380] {strides = array<i32>} : memref<128x64xf32, #tpu.memory_space<vmem>>, vector<1x16xf32>,
      %swap3A_382 = vector.shape_cast %swap3A_381 : vector<1x16xf32> to vector<16xf32>
      %swap3A_383 = vector.shape_cast %mul3A_374 : vector<16xf32> to vector<1x16xf32>
      tpu.vector_store %arg7[%swap3A_379, %swap3A_380], %swap3A_383 {strides = array<i32>} : memref<128x64xf32, #tpu.memory_space<vmem>>, vector<1x16xf32>,
      %mul3A_384 = vector.broadcast %scan3A : f32 to vector<16xf32>
      %mul3A_385 = arith.mulf %parallel_loop3A_273#10, %mul3A_384 : vector<16xf32>
      %mul3A_386 = arith.constant 4 : i32
      %mul3A_387 = arith.muli %add3A_256, %mul3A_386 : i32
      %add3A_388 = arith.constant 2 : i32
      %add3A_389 = arith.addi %mul3A_387, %add3A_388 : i32
      %swap3A_390 = arith.index_cast %add3A_389 : i32 to index
      %swap3A_391 = arith.constant 32 : index
      %swap3A_392 = tpu.vector_load %arg7[%swap3A_390, %swap3A_391] {strides = array<i32>} : memref<128x64xf32, #tpu.memory_space<vmem>>, vector<1x16xf32>,
      %swap3A_393 = vector.shape_cast %swap3A_392 : vector<1x16xf32> to vector<16xf32>
      %swap3A_394 = vector.shape_cast %mul3A_385 : vector<16xf32> to vector<1x16xf32>
      tpu.vector_store %arg7[%swap3A_390, %swap3A_391], %swap3A_394 {strides = array<i32>} : memref<128x64xf32, #tpu.memory_space<vmem>>, vector<1x16xf32>,
      %mul3A_395 = vector.broadcast %scan3A : f32 to vector<16xf32>
      %mul3A_396 = arith.mulf %parallel_loop3A_273#11, %mul3A_395 : vector<16xf32>
      %mul3A_397 = arith.constant 4 : i32
      %mul3A_398 = arith.muli %add3A_256, %mul3A_397 : i32
      %add3A_399 = arith.constant 2 : i32
      %add3A_400 = arith.addi %mul3A_398, %add3A_399 : i32
      %swap3A_401 = arith.index_cast %add3A_400 : i32 to index
      %swap3A_402 = arith.constant 48 : index
      %swap3A_403 = tpu.vector_load %arg7[%swap3A_401, %swap3A_402] {strides = array<i32>} : memref<128x64xf32, #tpu.memory_space<vmem>>, vector<1x16xf32>,
      %swap3A_404 = vector.shape_cast %swap3A_403 : vector<1x16xf32> to vector<16xf32>
      %swap3A_405 = vector.shape_cast %mul3A_396 : vector<16xf32> to vector<1x16xf32>
      tpu.vector_store %arg7[%swap3A_401, %swap3A_402], %swap3A_405 {strides = array<i32>} : memref<128x64xf32, #tpu.memory_space<vmem>>, vector<1x16xf32>,
      %mul3A_406 = vector.broadcast %scan3A : f32 to vector<16xf32>
      %mul3A_407 = arith.mulf %parallel_loop3A_273#12, %mul3A_406 : vector<16xf32>
      %mul3A_408 = arith.constant 4 : i32
      %mul3A_409 = arith.muli %add3A_256, %mul3A_408 : i32
      %add3A_410 = arith.constant 3 : i32
      %add3A_411 = arith.addi %mul3A_409, %add3A_410 : i32
      %swap3A_412 = arith.index_cast %add3A_411 : i32 to index
      %swap3A_413 = arith.constant 0 : index
      %swap3A_414 = tpu.vector_load %arg7[%swap3A_412, %swap3A_413] {strides = array<i32>} : memref<128x64xf32, #tpu.memory_space<vmem>>, vector<1x16xf32>,
      %swap3A_415 = vector.shape_cast %swap3A_414 : vector<1x16xf32> to vector<16xf32>
      %swap3A_416 = vector.shape_cast %mul3A_407 : vector<16xf32> to vector<1x16xf32>
      tpu.vector_store %arg7[%swap3A_412, %swap3A_413], %swap3A_416 {strides = array<i32>} : memref<128x64xf32, #tpu.memory_space<vmem>>, vector<1x16xf32>,
      %mul3A_417 = vector.broadcast %scan3A : f32 to vector<16xf32>
      %mul3A_418 = arith.mulf %parallel_loop3A_273#13, %mul3A_417 : vector<16xf32>
      %mul3A_419 = arith.constant 4 : i32
      %mul3A_420 = arith.muli %add3A_256, %mul3A_419 : i32
      %add3A_421 = arith.constant 3 : i32
      %add3A_422 = arith.addi %mul3A_420, %add3A_421 : i32
      %swap3A_423 = arith.index_cast %add3A_422 : i32 to index
      %swap3A_424 = arith.constant 16 : index
      %swap3A_425 = tpu.vector_load %arg7[%swap3A_423, %swap3A_424] {strides = array<i32>} : memref<128x64xf32, #tpu.memory_space<vmem>>, vector<1x16xf32>,
      %swap3A_426 = vector.shape_cast %swap3A_425 : vector<1x16xf32> to vector<16xf32>
      %swap3A_427 = vector.shape_cast %mul3A_418 : vector<16xf32> to vector<1x16xf32>
      tpu.vector_store %arg7[%swap3A_423, %swap3A_424], %swap3A_427 {strides = array<i32>} : memref<128x64xf32, #tpu.memory_space<vmem>>, vector<1x16xf32>,
      %mul3A_428 = vector.broadcast %scan3A : f32 to vector<16xf32>
      %mul3A_429 = arith.mulf %parallel_loop3A_273#14, %mul3A_428 : vector<16xf32>
      %mul3A_430 = arith.constant 4 : i32
      %mul3A_431 = arith.muli %add3A_256, %mul3A_430 : i32
      %add3A_432 = arith.constant 3 : i32
      %add3A_433 = arith.addi %mul3A_431, %add3A_432 : i32
      %swap3A_434 = arith.index_cast %add3A_433 : i32 to index
      %swap3A_435 = arith.constant 32 : index
      %swap3A_436 = tpu.vector_load %arg7[%swap3A_434, %swap3A_435] {strides = array<i32>} : memref<128x64xf32, #tpu.memory_space<vmem>>, vector<1x16xf32>,
      %swap3A_437 = vector.shape_cast %swap3A_436 : vector<1x16xf32> to vector<16xf32>
      %swap3A_438 = vector.shape_cast %mul3A_429 : vector<16xf32> to vector<1x16xf32>
      tpu.vector_store %arg7[%swap3A_434, %swap3A_435], %swap3A_438 {strides = array<i32>} : memref<128x64xf32, #tpu.memory_space<vmem>>, vector<1x16xf32>,
      %mul3A_439 = vector.broadcast %scan3A : f32 to vector<16xf32>
      %mul3A_440 = arith.mulf %parallel_loop3A_273#15, %mul3A_439 : vector<16xf32>
      %mul3A_441 = arith.constant 4 : i32
      %mul3A_442 = arith.muli %add3A_256, %mul3A_441 : i32
      %add3A_443 = arith.constant 3 : i32
      %add3A_444 = arith.addi %mul3A_442, %add3A_443 : i32
      %swap3A_445 = arith.index_cast %add3A_444 : i32 to index
      %swap3A_446 = arith.constant 48 : index
      %swap3A_447 = tpu.vector_load %arg7[%swap3A_445, %swap3A_446] {strides = array<i32>} : memref<128x64xf32, #tpu.memory_space<vmem>>, vector<1x16xf32>,
      %swap3A_448 = vector.shape_cast %swap3A_447 : vector<1x16xf32> to vector<16xf32>
      %swap3A_449 = vector.shape_cast %mul3A_440 : vector<16xf32> to vector<1x16xf32>
      tpu.vector_store %arg7[%swap3A_445, %swap3A_446], %swap3A_449 {strides = array<i32>} : memref<128x64xf32, #tpu.memory_space<vmem>>, vector<1x16xf32>,
      %add3A_450 = arith.constant 4 : i32
      %add3A_451 = arith.addi %add3A_256, %add3A_450 : i32
      %lt3A_452 = arith.constant 32 : i32
      %lt3A_453 = arith.cmpi slt, %add3A_451, %lt3A_452 : i32
      %convert_element_type3A_454 = arith.extui %lt3A_453 : i1 to i32
      %cond3A_455 = arith.constant 0 : i32
      %cond3A_456 = arith.cmpi ne, %convert_element_type3A_454, %cond3A_455 : i32
      scf.if %cond3A_456 {
        %add3A_865 = arith.constant 4 : i32
        %add3A_866 = arith.addi %add3A_256, %add3A_865 : i32
        %dma_start3A_867 = arith.constant 1 : i32
        %dma_start3A_868 = arith.constant 0 : i32
        %dma_start3A_869 = arith.constant 0 : i32
        %dma_start3A_870 = tpu.memref_slice %arg6[%dma_start3A_867, %dma_start3A_868, %dma_start3A_869] : memref<4x200x64xf32, #tpu.memory_space<vmem>> -> memref<1x200x64xf32, #tpu.memory_space<vmem>>
        %dma_start3A_871 = tpu.memref_squeeze %dma_start3A_870 : memref<1x200x64xf32, #tpu.memory_space<vmem>> -> memref<200x64xf32, #tpu.memory_space<vmem>>
        %dma_start3A_872 = arith.constant 0 : i32
        %dma_start3A_873 = tpu.memref_slice %arg5[%add3A_866, %dma_start3A_872] : memref<32x200xi32, #tpu.memory_space<vmem>> -> memref<1x200xi32, #tpu.memory_space<vmem>>
        %dma_start3A_874 = tpu.memref_squeeze %dma_start3A_873 : memref<1x200xi32, #tpu.memory_space<vmem>> -> memref<200xi32, #tpu.memory_space<vmem>>
        %dma_start3A_875 = arith.constant 0 : i32
        %dma_start3A_876 = arith.constant 0 : i32
        %dma_start3A_877 = tpu.memref_slice %arg3[%dma_start3A_875, %dma_start3A_876] : memref<100000x64xf32, #tpu.memory_space<hbm>> -> memref<100000x64xf32, #tpu.memory_space<hbm>>
        tpu.enqueue_indirect_dma source(%dma_start3A_877 : memref<100000x64xf32, #tpu.memory_space<hbm>>) target(%dma_start3A_871 : memref<200x64xf32, #tpu.memory_space<vmem>>) offsets(%dma_start3A_874 : memref<200xi32, #tpu.memory_space<vmem>>) semaphore(%arg9 : memref<!tpu.dma_semaphore, #tpu.memory_space<semaphore_mem>>)
      } else {
      }
      %mul3A_457 = arith.constant 4 : i32
      %mul3A_458 = arith.muli %scan3A_55, %mul3A_457 : i32
      %add3A_459 = arith.constant 2 : i32
      %add3A_460 = arith.addi %mul3A_458, %add3A_459 : i32
      %dma_wait3A_461 = arith.constant 2 : i32
      %dma_wait3A_462 = arith.constant 0 : i32
      %dma_wait3A_463 = arith.constant 0 : i32
      %dma_wait3A_464 = tpu.memref_slice %arg6[%dma_wait3A_461, %dma_wait3A_462, %dma_wait3A_463] : memref<4x200x64xf32, #tpu.memory_space<vmem>> -> memref<1x200x64xf32, #tpu.memory_space<vmem>>
      %dma_wait3A_465 = tpu.memref_squeeze %dma_wait3A_464 : memref<1x200x64xf32, #tpu.memory_space<vmem>> -> memref<200x64xf32, #tpu.memory_space<vmem>>
      %dma_wait3A_466 = arith.constant 0 : i32
      %dma_wait3A_467 = tpu.memref_slice %arg5[%add3A_460, %dma_wait3A_466] : memref<32x200xi32, #tpu.memory_space<vmem>> -> memref<1x200xi32, #tpu.memory_space<vmem>>
      %dma_wait3A_468 = tpu.memref_squeeze %dma_wait3A_467 : memref<1x200xi32, #tpu.memory_space<vmem>> -> memref<200xi32, #tpu.memory_space<vmem>>
      %dma_wait3A_469 = arith.constant 0 : i32
      %dma_wait3A_470 = arith.constant 0 : i32
      %dma_wait3A_471 = tpu.memref_slice %arg3[%dma_wait3A_469, %dma_wait3A_470] : memref<100000x64xf32, #tpu.memory_space<hbm>> -> memref<100000x64xf32, #tpu.memory_space<hbm>>
      tpu.wait_indirect_dma semaphore(%arg10 : memref<!tpu.dma_semaphore, #tpu.memory_space<semaphore_mem>>) src(%dma_wait3A_471 : memref<100000x64xf32, #tpu.memory_space<hbm>>) dst(%dma_wait3A_465 : memref<200x64xf32, #tpu.memory_space<vmem>>)
      %broadcast_in_dim3A_472 = arith.constant 0.000000e+00 : f32
      %broadcast_in_dim3A_473 = vector.broadcast %broadcast_in_dim3A_472 : f32 to vector<16xf32>
      %parallel_loop3A_474 = arith.constant 0 : i32
      %parallel_loop3A_475 = arith.constant 50 : i32
      %parallel_loop3A_476 = arith.constant 1 : i32
      %parallel_loop3A_477:16 = scf.for %parallel_loop3A_865 = %parallel_loop3A_474 to %parallel_loop3A_475 step %parallel_loop3A_476 iter_args(%parallel_loop3A_866 = %broadcast_in_dim3A_473, %parallel_loop3A_867 = %broadcast_in_dim3A_473, %parallel_loop3A_868 = %broadcast_in_dim3A_473, %parallel_loop3A_869 = %broadcast_in_dim3A_473, %parallel_loop3A_870 = %broadcast_in_dim3A_473, %parallel_loop3A_871 = %broadcast_in_dim3A_473, %parallel_loop3A_872 = %broadcast_in_dim3A_473, %parallel_loop3A_873 = %broadcast_in_dim3A_473, %parallel_loop3A_874 = %broadcast_in_dim3A_473, %parallel_loop3A_875 = %broadcast_in_dim3A_473, %parallel_loop3A_876 = %broadcast_in_dim3A_473, %parallel_loop3A_877 = %broadcast_in_dim3A_473, %parallel_loop3A_878 = %broadcast_in_dim3A_473, %parallel_loop3A_879 = %broadcast_in_dim3A_473, %parallel_loop3A_880 = %broadcast_in_dim3A_473, %parallel_loop3A_881 = %broadcast_in_dim3A_473) -> (vector<16xf32>, vector<16xf32>, vector<16xf32>, vector<16xf32>, vector<16xf32>, vector<16xf32>, vector<16xf32>, vector<16xf32>, vector<16xf32>, vector<16xf32>, vector<16xf32>, vector<16xf32>, vector<16xf32>, vector<16xf32>, vector<16xf32>, vector<16xf32>)  : i32 {
        %parallel_loop3A_882 = arith.constant 0 : i32
        %parallel_loop3A_883 = arith.addi %parallel_loop3A_882, %parallel_loop3A_865 : i32
        %parallel_loop3A_884 = arith.constant 2 : i32
        %parallel_loop3A_885 = arith.index_cast %parallel_loop3A_884 : i32 to index
        %parallel_loop3A_886 = arith.index_cast %parallel_loop3A_883 : i32 to index
        %parallel_loop3A_887 = arith.constant 0 : index
        %parallel_loop3A_888 = tpu.vector_load %arg6[%parallel_loop3A_885, %parallel_loop3A_886, %parallel_loop3A_887] {strides = array<i32>} : memref<4x200x64xf32, #tpu.memory_space<vmem>>, vector<1x1x16xf32>,
        %parallel_loop3A_889 = vector.shape_cast %parallel_loop3A_888 : vector<1x1x16xf32> to vector<16xf32>
        %parallel_loop3A_890 = arith.addf %parallel_loop3A_866, %parallel_loop3A_889 : vector<16xf32>
        %parallel_loop3A_891 = arith.constant 0 : i32
        %parallel_loop3A_892 = arith.addi %parallel_loop3A_891, %parallel_loop3A_865 : i32
        %parallel_loop3A_893 = arith.constant 2 : i32
        %parallel_loop3A_894 = arith.index_cast %parallel_loop3A_893 : i32 to index
        %parallel_loop3A_895 = arith.index_cast %parallel_loop3A_892 : i32 to index
        %parallel_loop3A_896 = arith.constant 16 : index
        %parallel_loop3A_897 = tpu.vector_load %arg6[%parallel_loop3A_894, %parallel_loop3A_895, %parallel_loop3A_896] {strides = array<i32>} : memref<4x200x64xf32, #tpu.memory_space<vmem>>, vector<1x1x16xf32>,
        %parallel_loop3A_898 = vector.shape_cast %parallel_loop3A_897 : vector<1x1x16xf32> to vector<16xf32>
        %parallel_loop3A_899 = arith.addf %parallel_loop3A_867, %parallel_loop3A_898 : vector<16xf32>
        %parallel_loop3A_900 = arith.constant 0 : i32
        %parallel_loop3A_901 = arith.addi %parallel_loop3A_900, %parallel_loop3A_865 : i32
        %parallel_loop3A_902 = arith.constant 2 : i32
        %parallel_loop3A_903 = arith.index_cast %parallel_loop3A_902 : i32 to index
        %parallel_loop3A_904 = arith.index_cast %parallel_loop3A_901 : i32 to index
        %parallel_loop3A_905 = arith.constant 32 : index
        %parallel_loop3A_906 = tpu.vector_load %arg6[%parallel_loop3A_903, %parallel_loop3A_904, %parallel_loop3A_905] {strides = array<i32>} : memref<4x200x64xf32, #tpu.memory_space<vmem>>, vector<1x1x16xf32>,
        %parallel_loop3A_907 = vector.shape_cast %parallel_loop3A_906 : vector<1x1x16xf32> to vector<16xf32>
        %parallel_loop3A_908 = arith.addf %parallel_loop3A_868, %parallel_loop3A_907 : vector<16xf32>
        %parallel_loop3A_909 = arith.constant 0 : i32
        %parallel_loop3A_910 = arith.addi %parallel_loop3A_909, %parallel_loop3A_865 : i32
        %parallel_loop3A_911 = arith.constant 2 : i32
        %parallel_loop3A_912 = arith.index_cast %parallel_loop3A_911 : i32 to index
        %parallel_loop3A_913 = arith.index_cast %parallel_loop3A_910 : i32 to index
        %parallel_loop3A_914 = arith.constant 48 : index
        %parallel_loop3A_915 = tpu.vector_load %arg6[%parallel_loop3A_912, %parallel_loop3A_913, %parallel_loop3A_914] {strides = array<i32>} : memref<4x200x64xf32, #tpu.memory_space<vmem>>, vector<1x1x16xf32>,
        %parallel_loop3A_916 = vector.shape_cast %parallel_loop3A_915 : vector<1x1x16xf32> to vector<16xf32>
        %parallel_loop3A_917 = arith.addf %parallel_loop3A_869, %parallel_loop3A_916 : vector<16xf32>
        %parallel_loop3A_918 = arith.constant 50 : i32
        %parallel_loop3A_919 = arith.addi %parallel_loop3A_918, %parallel_loop3A_865 : i32
        %parallel_loop3A_920 = arith.constant 2 : i32
        %parallel_loop3A_921 = arith.index_cast %parallel_loop3A_920 : i32 to index
        %parallel_loop3A_922 = arith.index_cast %parallel_loop3A_919 : i32 to index
        %parallel_loop3A_923 = arith.constant 0 : index
        %parallel_loop3A_924 = tpu.vector_load %arg6[%parallel_loop3A_921, %parallel_loop3A_922, %parallel_loop3A_923] {strides = array<i32>} : memref<4x200x64xf32, #tpu.memory_space<vmem>>, vector<1x1x16xf32>,
        %parallel_loop3A_925 = vector.shape_cast %parallel_loop3A_924 : vector<1x1x16xf32> to vector<16xf32>
        %parallel_loop3A_926 = arith.addf %parallel_loop3A_870, %parallel_loop3A_925 : vector<16xf32>
        %parallel_loop3A_927 = arith.constant 50 : i32
        %parallel_loop3A_928 = arith.addi %parallel_loop3A_927, %parallel_loop3A_865 : i32
        %parallel_loop3A_929 = arith.constant 2 : i32
        %parallel_loop3A_930 = arith.index_cast %parallel_loop3A_929 : i32 to index
        %parallel_loop3A_931 = arith.index_cast %parallel_loop3A_928 : i32 to index
        %parallel_loop3A_932 = arith.constant 16 : index
        %parallel_loop3A_933 = tpu.vector_load %arg6[%parallel_loop3A_930, %parallel_loop3A_931, %parallel_loop3A_932] {strides = array<i32>} : memref<4x200x64xf32, #tpu.memory_space<vmem>>, vector<1x1x16xf32>,
        %parallel_loop3A_934 = vector.shape_cast %parallel_loop3A_933 : vector<1x1x16xf32> to vector<16xf32>
        %parallel_loop3A_935 = arith.addf %parallel_loop3A_871, %parallel_loop3A_934 : vector<16xf32>
        %parallel_loop3A_936 = arith.constant 50 : i32
        %parallel_loop3A_937 = arith.addi %parallel_loop3A_936, %parallel_loop3A_865 : i32
        %parallel_loop3A_938 = arith.constant 2 : i32
        %parallel_loop3A_939 = arith.index_cast %parallel_loop3A_938 : i32 to index
        %parallel_loop3A_940 = arith.index_cast %parallel_loop3A_937 : i32 to index
        %parallel_loop3A_941 = arith.constant 32 : index
        %parallel_loop3A_942 = tpu.vector_load %arg6[%parallel_loop3A_939, %parallel_loop3A_940, %parallel_loop3A_941] {strides = array<i32>} : memref<4x200x64xf32, #tpu.memory_space<vmem>>, vector<1x1x16xf32>,
        %parallel_loop3A_943 = vector.shape_cast %parallel_loop3A_942 : vector<1x1x16xf32> to vector<16xf32>
        %parallel_loop3A_944 = arith.addf %parallel_loop3A_872, %parallel_loop3A_943 : vector<16xf32>
        %parallel_loop3A_945 = arith.constant 50 : i32
        %parallel_loop3A_946 = arith.addi %parallel_loop3A_945, %parallel_loop3A_865 : i32
        %parallel_loop3A_947 = arith.constant 2 : i32
        %parallel_loop3A_948 = arith.index_cast %parallel_loop3A_947 : i32 to index
        %parallel_loop3A_949 = arith.index_cast %parallel_loop3A_946 : i32 to index
        %parallel_loop3A_950 = arith.constant 48 : index
        %parallel_loop3A_951 = tpu.vector_load %arg6[%parallel_loop3A_948, %parallel_loop3A_949, %parallel_loop3A_950] {strides = array<i32>} : memref<4x200x64xf32, #tpu.memory_space<vmem>>, vector<1x1x16xf32>,
        %parallel_loop3A_952 = vector.shape_cast %parallel_loop3A_951 : vector<1x1x16xf32> to vector<16xf32>
        %parallel_loop3A_953 = arith.addf %parallel_loop3A_873, %parallel_loop3A_952 : vector<16xf32>
        %parallel_loop3A_954 = arith.constant 100 : i32
        %parallel_loop3A_955 = arith.addi %parallel_loop3A_954, %parallel_loop3A_865 : i32
        %parallel_loop3A_956 = arith.constant 2 : i32
        %parallel_loop3A_957 = arith.index_cast %parallel_loop3A_956 : i32 to index
        %parallel_loop3A_958 = arith.index_cast %parallel_loop3A_955 : i32 to index
        %parallel_loop3A_959 = arith.constant 0 : index
        %parallel_loop3A_960 = tpu.vector_load %arg6[%parallel_loop3A_957, %parallel_loop3A_958, %parallel_loop3A_959] {strides = array<i32>} : memref<4x200x64xf32, #tpu.memory_space<vmem>>, vector<1x1x16xf32>,
        %parallel_loop3A_961 = vector.shape_cast %parallel_loop3A_960 : vector<1x1x16xf32> to vector<16xf32>
        %parallel_loop3A_962 = arith.addf %parallel_loop3A_874, %parallel_loop3A_961 : vector<16xf32>
        %parallel_loop3A_963 = arith.constant 100 : i32
        %parallel_loop3A_964 = arith.addi %parallel_loop3A_963, %parallel_loop3A_865 : i32
        %parallel_loop3A_965 = arith.constant 2 : i32
        %parallel_loop3A_966 = arith.index_cast %parallel_loop3A_965 : i32 to index
        %parallel_loop3A_967 = arith.index_cast %parallel_loop3A_964 : i32 to index
        %parallel_loop3A_968 = arith.constant 16 : index
        %parallel_loop3A_969 = tpu.vector_load %arg6[%parallel_loop3A_966, %parallel_loop3A_967, %parallel_loop3A_968] {strides = array<i32>} : memref<4x200x64xf32, #tpu.memory_space<vmem>>, vector<1x1x16xf32>,
        %parallel_loop3A_970 = vector.shape_cast %parallel_loop3A_969 : vector<1x1x16xf32> to vector<16xf32>
        %parallel_loop3A_971 = arith.addf %parallel_loop3A_875, %parallel_loop3A_970 : vector<16xf32>
        %parallel_loop3A_972 = arith.constant 100 : i32
        %parallel_loop3A_973 = arith.addi %parallel_loop3A_972, %parallel_loop3A_865 : i32
        %parallel_loop3A_974 = arith.constant 2 : i32
        %parallel_loop3A_975 = arith.index_cast %parallel_loop3A_974 : i32 to index
        %parallel_loop3A_976 = arith.index_cast %parallel_loop3A_973 : i32 to index
        %parallel_loop3A_977 = arith.constant 32 : index
        %parallel_loop3A_978 = tpu.vector_load %arg6[%parallel_loop3A_975, %parallel_loop3A_976, %parallel_loop3A_977] {strides = array<i32>} : memref<4x200x64xf32, #tpu.memory_space<vmem>>, vector<1x1x16xf32>,
        %parallel_loop3A_979 = vector.shape_cast %parallel_loop3A_978 : vector<1x1x16xf32> to vector<16xf32>
        %parallel_loop3A_980 = arith.addf %parallel_loop3A_876, %parallel_loop3A_979 : vector<16xf32>
        %parallel_loop3A_981 = arith.constant 100 : i32
        %parallel_loop3A_982 = arith.addi %parallel_loop3A_981, %parallel_loop3A_865 : i32
        %parallel_loop3A_983 = arith.constant 2 : i32
        %parallel_loop3A_984 = arith.index_cast %parallel_loop3A_983 : i32 to index
        %parallel_loop3A_985 = arith.index_cast %parallel_loop3A_982 : i32 to index
        %parallel_loop3A_986 = arith.constant 48 : index
        %parallel_loop3A_987 = tpu.vector_load %arg6[%parallel_loop3A_984, %parallel_loop3A_985, %parallel_loop3A_986] {strides = array<i32>} : memref<4x200x64xf32, #tpu.memory_space<vmem>>, vector<1x1x16xf32>,
        %parallel_loop3A_988 = vector.shape_cast %parallel_loop3A_987 : vector<1x1x16xf32> to vector<16xf32>
        %parallel_loop3A_989 = arith.addf %parallel_loop3A_877, %parallel_loop3A_988 : vector<16xf32>
        %parallel_loop3A_990 = arith.constant 150 : i32
        %parallel_loop3A_991 = arith.addi %parallel_loop3A_990, %parallel_loop3A_865 : i32
        %parallel_loop3A_992 = arith.constant 2 : i32
        %parallel_loop3A_993 = arith.index_cast %parallel_loop3A_992 : i32 to index
        %parallel_loop3A_994 = arith.index_cast %parallel_loop3A_991 : i32 to index
        %parallel_loop3A_995 = arith.constant 0 : index
        %parallel_loop3A_996 = tpu.vector_load %arg6[%parallel_loop3A_993, %parallel_loop3A_994, %parallel_loop3A_995] {strides = array<i32>} : memref<4x200x64xf32, #tpu.memory_space<vmem>>, vector<1x1x16xf32>,
        %parallel_loop3A_997 = vector.shape_cast %parallel_loop3A_996 : vector<1x1x16xf32> to vector<16xf32>
        %parallel_loop3A_998 = arith.addf %parallel_loop3A_878, %parallel_loop3A_997 : vector<16xf32>
        %parallel_loop3A_999 = arith.constant 150 : i32
        %parallel_loop3A_1000 = arith.addi %parallel_loop3A_999, %parallel_loop3A_865 : i32
        %parallel_loop3A_1001 = arith.constant 2 : i32
        %parallel_loop3A_1002 = arith.index_cast %parallel_loop3A_1001 : i32 to index
        %parallel_loop3A_1003 = arith.index_cast %parallel_loop3A_1000 : i32 to index
        %parallel_loop3A_1004 = arith.constant 16 : index
        %parallel_loop3A_1005 = tpu.vector_load %arg6[%parallel_loop3A_1002, %parallel_loop3A_1003, %parallel_loop3A_1004] {strides = array<i32>} : memref<4x200x64xf32, #tpu.memory_space<vmem>>, vector<1x1x16xf32>,
        %parallel_loop3A_1006 = vector.shape_cast %parallel_loop3A_1005 : vector<1x1x16xf32> to vector<16xf32>
        %parallel_loop3A_1007 = arith.addf %parallel_loop3A_879, %parallel_loop3A_1006 : vector<16xf32>
        %parallel_loop3A_1008 = arith.constant 150 : i32
        %parallel_loop3A_1009 = arith.addi %parallel_loop3A_1008, %parallel_loop3A_865 : i32
        %parallel_loop3A_1010 = arith.constant 2 : i32
        %parallel_loop3A_1011 = arith.index_cast %parallel_loop3A_1010 : i32 to index
        %parallel_loop3A_1012 = arith.index_cast %parallel_loop3A_1009 : i32 to index
        %parallel_loop3A_1013 = arith.constant 32 : index
        %parallel_loop3A_1014 = tpu.vector_load %arg6[%parallel_loop3A_1011, %parallel_loop3A_1012, %parallel_loop3A_1013] {strides = array<i32>} : memref<4x200x64xf32, #tpu.memory_space<vmem>>, vector<1x1x16xf32>,
        %parallel_loop3A_1015 = vector.shape_cast %parallel_loop3A_1014 : vector<1x1x16xf32> to vector<16xf32>
        %parallel_loop3A_1016 = arith.addf %parallel_loop3A_880, %parallel_loop3A_1015 : vector<16xf32>
        %parallel_loop3A_1017 = arith.constant 150 : i32
        %parallel_loop3A_1018 = arith.addi %parallel_loop3A_1017, %parallel_loop3A_865 : i32
        %parallel_loop3A_1019 = arith.constant 2 : i32
        %parallel_loop3A_1020 = arith.index_cast %parallel_loop3A_1019 : i32 to index
        %parallel_loop3A_1021 = arith.index_cast %parallel_loop3A_1018 : i32 to index
        %parallel_loop3A_1022 = arith.constant 48 : index
        %parallel_loop3A_1023 = tpu.vector_load %arg6[%parallel_loop3A_1020, %parallel_loop3A_1021, %parallel_loop3A_1022] {strides = array<i32>} : memref<4x200x64xf32, #tpu.memory_space<vmem>>, vector<1x1x16xf32>,
        %parallel_loop3A_1024 = vector.shape_cast %parallel_loop3A_1023 : vector<1x1x16xf32> to vector<16xf32>
        %parallel_loop3A_1025 = arith.addf %parallel_loop3A_881, %parallel_loop3A_1024 : vector<16xf32>
        scf.yield %parallel_loop3A_890, %parallel_loop3A_899, %parallel_loop3A_908, %parallel_loop3A_917, %parallel_loop3A_926, %parallel_loop3A_935, %parallel_loop3A_944, %parallel_loop3A_953, %parallel_loop3A_962, %parallel_loop3A_971, %parallel_loop3A_980, %parallel_loop3A_989, %parallel_loop3A_998, %parallel_loop3A_1007, %parallel_loop3A_1016, %parallel_loop3A_1025 : vector<16xf32>, vector<16xf32>, vector<16xf32>, vector<16xf32>, vector<16xf32>, vector<16xf32>, vector<16xf32>, vector<16xf32>, vector<16xf32>, vector<16xf32>, vector<16xf32>, vector<16xf32>, vector<16xf32>, vector<16xf32>, vector<16xf32>, vector<16xf32>
      } {sc.loop_unroll_factor = 5 : i64, sc.parallel_access}
      %mul3A_478 = vector.broadcast %scan3A : f32 to vector<16xf32>
      %mul3A_479 = arith.mulf %parallel_loop3A_477#0, %mul3A_478 : vector<16xf32>
      %mul3A_480 = arith.constant 4 : i32
      %mul3A_481 = arith.muli %add3A_460, %mul3A_480 : i32
      %add3A_482 = arith.constant 0 : i32
      %add3A_483 = arith.addi %mul3A_481, %add3A_482 : i32
      %swap3A_484 = arith.index_cast %add3A_483 : i32 to index
      %swap3A_485 = arith.constant 0 : index
      %swap3A_486 = tpu.vector_load %arg7[%swap3A_484, %swap3A_485] {strides = array<i32>} : memref<128x64xf32, #tpu.memory_space<vmem>>, vector<1x16xf32>,
      %swap3A_487 = vector.shape_cast %swap3A_486 : vector<1x16xf32> to vector<16xf32>
      %swap3A_488 = vector.shape_cast %mul3A_479 : vector<16xf32> to vector<1x16xf32>
      tpu.vector_store %arg7[%swap3A_484, %swap3A_485], %swap3A_488 {strides = array<i32>} : memref<128x64xf32, #tpu.memory_space<vmem>>, vector<1x16xf32>,
      %mul3A_489 = vector.broadcast %scan3A : f32 to vector<16xf32>
      %mul3A_490 = arith.mulf %parallel_loop3A_477#1, %mul3A_489 : vector<16xf32>
      %mul3A_491 = arith.constant 4 : i32
      %mul3A_492 = arith.muli %add3A_460, %mul3A_491 : i32
      %add3A_493 = arith.constant 0 : i32
      %add3A_494 = arith.addi %mul3A_492, %add3A_493 : i32
      %swap3A_495 = arith.index_cast %add3A_494 : i32 to index
      %swap3A_496 = arith.constant 16 : index
      %swap3A_497 = tpu.vector_load %arg7[%swap3A_495, %swap3A_496] {strides = array<i32>} : memref<128x64xf32, #tpu.memory_space<vmem>>, vector<1x16xf32>,
      %swap3A_498 = vector.shape_cast %swap3A_497 : vector<1x16xf32> to vector<16xf32>
      %swap3A_499 = vector.shape_cast %mul3A_490 : vector<16xf32> to vector<1x16xf32>
      tpu.vector_store %arg7[%swap3A_495, %swap3A_496], %swap3A_499 {strides = array<i32>} : memref<128x64xf32, #tpu.memory_space<vmem>>, vector<1x16xf32>,
      %mul3A_500 = vector.broadcast %scan3A : f32 to vector<16xf32>
      %mul3A_501 = arith.mulf %parallel_loop3A_477#2, %mul3A_500 : vector<16xf32>
      %mul3A_502 = arith.constant 4 : i32
      %mul3A_503 = arith.muli %add3A_460, %mul3A_502 : i32
      %add3A_504 = arith.constant 0 : i32
      %add3A_505 = arith.addi %mul3A_503, %add3A_504 : i32
      %swap3A_506 = arith.index_cast %add3A_505 : i32 to index
      %swap3A_507 = arith.constant 32 : index
      %swap3A_508 = tpu.vector_load %arg7[%swap3A_506, %swap3A_507] {strides = array<i32>} : memref<128x64xf32, #tpu.memory_space<vmem>>, vector<1x16xf32>,
      %swap3A_509 = vector.shape_cast %swap3A_508 : vector<1x16xf32> to vector<16xf32>
      %swap3A_510 = vector.shape_cast %mul3A_501 : vector<16xf32> to vector<1x16xf32>
      tpu.vector_store %arg7[%swap3A_506, %swap3A_507], %swap3A_510 {strides = array<i32>} : memref<128x64xf32, #tpu.memory_space<vmem>>, vector<1x16xf32>,
      %mul3A_511 = vector.broadcast %scan3A : f32 to vector<16xf32>
      %mul3A_512 = arith.mulf %parallel_loop3A_477#3, %mul3A_511 : vector<16xf32>
      %mul3A_513 = arith.constant 4 : i32
      %mul3A_514 = arith.muli %add3A_460, %mul3A_513 : i32
      %add3A_515 = arith.constant 0 : i32
      %add3A_516 = arith.addi %mul3A_514, %add3A_515 : i32
      %swap3A_517 = arith.index_cast %add3A_516 : i32 to index
      %swap3A_518 = arith.constant 48 : index
      %swap3A_519 = tpu.vector_load %arg7[%swap3A_517, %swap3A_518] {strides = array<i32>} : memref<128x64xf32, #tpu.memory_space<vmem>>, vector<1x16xf32>,
      %swap3A_520 = vector.shape_cast %swap3A_519 : vector<1x16xf32> to vector<16xf32>
      %swap3A_521 = vector.shape_cast %mul3A_512 : vector<16xf32> to vector<1x16xf32>
      tpu.vector_store %arg7[%swap3A_517, %swap3A_518], %swap3A_521 {strides = array<i32>} : memref<128x64xf32, #tpu.memory_space<vmem>>, vector<1x16xf32>,
      %mul3A_522 = vector.broadcast %scan3A : f32 to vector<16xf32>
      %mul3A_523 = arith.mulf %parallel_loop3A_477#4, %mul3A_522 : vector<16xf32>
      %mul3A_524 = arith.constant 4 : i32
      %mul3A_525 = arith.muli %add3A_460, %mul3A_524 : i32
      %add3A_526 = arith.constant 1 : i32
      %add3A_527 = arith.addi %mul3A_525, %add3A_526 : i32
      %swap3A_528 = arith.index_cast %add3A_527 : i32 to index
      %swap3A_529 = arith.constant 0 : index
      %swap3A_530 = tpu.vector_load %arg7[%swap3A_528, %swap3A_529] {strides = array<i32>} : memref<128x64xf32, #tpu.memory_space<vmem>>, vector<1x16xf32>,
      %swap3A_531 = vector.shape_cast %swap3A_530 : vector<1x16xf32> to vector<16xf32>
      %swap3A_532 = vector.shape_cast %mul3A_523 : vector<16xf32> to vector<1x16xf32>
      tpu.vector_store %arg7[%swap3A_528, %swap3A_529], %swap3A_532 {strides = array<i32>} : memref<128x64xf32, #tpu.memory_space<vmem>>, vector<1x16xf32>,
      %mul3A_533 = vector.broadcast %scan3A : f32 to vector<16xf32>
      %mul3A_534 = arith.mulf %parallel_loop3A_477#5, %mul3A_533 : vector<16xf32>
      %mul3A_535 = arith.constant 4 : i32
      %mul3A_536 = arith.muli %add3A_460, %mul3A_535 : i32
      %add3A_537 = arith.constant 1 : i32
      %add3A_538 = arith.addi %mul3A_536, %add3A_537 : i32
      %swap3A_539 = arith.index_cast %add3A_538 : i32 to index
      %swap3A_540 = arith.constant 16 : index
      %swap3A_541 = tpu.vector_load %arg7[%swap3A_539, %swap3A_540] {strides = array<i32>} : memref<128x64xf32, #tpu.memory_space<vmem>>, vector<1x16xf32>,
      %swap3A_542 = vector.shape_cast %swap3A_541 : vector<1x16xf32> to vector<16xf32>
      %swap3A_543 = vector.shape_cast %mul3A_534 : vector<16xf32> to vector<1x16xf32>
      tpu.vector_store %arg7[%swap3A_539, %swap3A_540], %swap3A_543 {strides = array<i32>} : memref<128x64xf32, #tpu.memory_space<vmem>>, vector<1x16xf32>,
      %mul3A_544 = vector.broadcast %scan3A : f32 to vector<16xf32>
      %mul3A_545 = arith.mulf %parallel_loop3A_477#6, %mul3A_544 : vector<16xf32>
      %mul3A_546 = arith.constant 4 : i32
      %mul3A_547 = arith.muli %add3A_460, %mul3A_546 : i32
      %add3A_548 = arith.constant 1 : i32
      %add3A_549 = arith.addi %mul3A_547, %add3A_548 : i32
      %swap3A_550 = arith.index_cast %add3A_549 : i32 to index
      %swap3A_551 = arith.constant 32 : index
      %swap3A_552 = tpu.vector_load %arg7[%swap3A_550, %swap3A_551] {strides = array<i32>} : memref<128x64xf32, #tpu.memory_space<vmem>>, vector<1x16xf32>,
      %swap3A_553 = vector.shape_cast %swap3A_552 : vector<1x16xf32> to vector<16xf32>
      %swap3A_554 = vector.shape_cast %mul3A_545 : vector<16xf32> to vector<1x16xf32>
      tpu.vector_store %arg7[%swap3A_550, %swap3A_551], %swap3A_554 {strides = array<i32>} : memref<128x64xf32, #tpu.memory_space<vmem>>, vector<1x16xf32>,
      %mul3A_555 = vector.broadcast %scan3A : f32 to vector<16xf32>
      %mul3A_556 = arith.mulf %parallel_loop3A_477#7, %mul3A_555 : vector<16xf32>
      %mul3A_557 = arith.constant 4 : i32
      %mul3A_558 = arith.muli %add3A_460, %mul3A_557 : i32
      %add3A_559 = arith.constant 1 : i32
      %add3A_560 = arith.addi %mul3A_558, %add3A_559 : i32
      %swap3A_561 = arith.index_cast %add3A_560 : i32 to index
      %swap3A_562 = arith.constant 48 : index
      %swap3A_563 = tpu.vector_load %arg7[%swap3A_561, %swap3A_562] {strides = array<i32>} : memref<128x64xf32, #tpu.memory_space<vmem>>, vector<1x16xf32>,
      %swap3A_564 = vector.shape_cast %swap3A_563 : vector<1x16xf32> to vector<16xf32>
      %swap3A_565 = vector.shape_cast %mul3A_556 : vector<16xf32> to vector<1x16xf32>
      tpu.vector_store %arg7[%swap3A_561, %swap3A_562], %swap3A_565 {strides = array<i32>} : memref<128x64xf32, #tpu.memory_space<vmem>>, vector<1x16xf32>,
      %mul3A_566 = vector.broadcast %scan3A : f32 to vector<16xf32>
      %mul3A_567 = arith.mulf %parallel_loop3A_477#8, %mul3A_566 : vector<16xf32>
      %mul3A_568 = arith.constant 4 : i32
      %mul3A_569 = arith.muli %add3A_460, %mul3A_568 : i32
      %add3A_570 = arith.constant 2 : i32
      %add3A_571 = arith.addi %mul3A_569, %add3A_570 : i32
      %swap3A_572 = arith.index_cast %add3A_571 : i32 to index
      %swap3A_573 = arith.constant 0 : index
      %swap3A_574 = tpu.vector_load %arg7[%swap3A_572, %swap3A_573] {strides = array<i32>} : memref<128x64xf32, #tpu.memory_space<vmem>>, vector<1x16xf32>,
      %swap3A_575 = vector.shape_cast %swap3A_574 : vector<1x16xf32> to vector<16xf32>
      %swap3A_576 = vector.shape_cast %mul3A_567 : vector<16xf32> to vector<1x16xf32>
      tpu.vector_store %arg7[%swap3A_572, %swap3A_573], %swap3A_576 {strides = array<i32>} : memref<128x64xf32, #tpu.memory_space<vmem>>, vector<1x16xf32>,
      %mul3A_577 = vector.broadcast %scan3A : f32 to vector<16xf32>
      %mul3A_578 = arith.mulf %parallel_loop3A_477#9, %mul3A_577 : vector<16xf32>
      %mul3A_579 = arith.constant 4 : i32
      %mul3A_580 = arith.muli %add3A_460, %mul3A_579 : i32
      %add3A_581 = arith.constant 2 : i32
      %add3A_582 = arith.addi %mul3A_580, %add3A_581 : i32
      %swap3A_583 = arith.index_cast %add3A_582 : i32 to index
      %swap3A_584 = arith.constant 16 : index
      %swap3A_585 = tpu.vector_load %arg7[%swap3A_583, %swap3A_584] {strides = array<i32>} : memref<128x64xf32, #tpu.memory_space<vmem>>, vector<1x16xf32>,
      %swap3A_586 = vector.shape_cast %swap3A_585 : vector<1x16xf32> to vector<16xf32>
      %swap3A_587 = vector.shape_cast %mul3A_578 : vector<16xf32> to vector<1x16xf32>
      tpu.vector_store %arg7[%swap3A_583, %swap3A_584], %swap3A_587 {strides = array<i32>} : memref<128x64xf32, #tpu.memory_space<vmem>>, vector<1x16xf32>,
      %mul3A_588 = vector.broadcast %scan3A : f32 to vector<16xf32>
      %mul3A_589 = arith.mulf %parallel_loop3A_477#10, %mul3A_588 : vector<16xf32>
      %mul3A_590 = arith.constant 4 : i32
      %mul3A_591 = arith.muli %add3A_460, %mul3A_590 : i32
      %add3A_592 = arith.constant 2 : i32
      %add3A_593 = arith.addi %mul3A_591, %add3A_592 : i32
      %swap3A_594 = arith.index_cast %add3A_593 : i32 to index
      %swap3A_595 = arith.constant 32 : index
      %swap3A_596 = tpu.vector_load %arg7[%swap3A_594, %swap3A_595] {strides = array<i32>} : memref<128x64xf32, #tpu.memory_space<vmem>>, vector<1x16xf32>,
      %swap3A_597 = vector.shape_cast %swap3A_596 : vector<1x16xf32> to vector<16xf32>
      %swap3A_598 = vector.shape_cast %mul3A_589 : vector<16xf32> to vector<1x16xf32>
      tpu.vector_store %arg7[%swap3A_594, %swap3A_595], %swap3A_598 {strides = array<i32>} : memref<128x64xf32, #tpu.memory_space<vmem>>, vector<1x16xf32>,
      %mul3A_599 = vector.broadcast %scan3A : f32 to vector<16xf32>
      %mul3A_600 = arith.mulf %parallel_loop3A_477#11, %mul3A_599 : vector<16xf32>
      %mul3A_601 = arith.constant 4 : i32
      %mul3A_602 = arith.muli %add3A_460, %mul3A_601 : i32
      %add3A_603 = arith.constant 2 : i32
      %add3A_604 = arith.addi %mul3A_602, %add3A_603 : i32
      %swap3A_605 = arith.index_cast %add3A_604 : i32 to index
      %swap3A_606 = arith.constant 48 : index
      %swap3A_607 = tpu.vector_load %arg7[%swap3A_605, %swap3A_606] {strides = array<i32>} : memref<128x64xf32, #tpu.memory_space<vmem>>, vector<1x16xf32>,
      %swap3A_608 = vector.shape_cast %swap3A_607 : vector<1x16xf32> to vector<16xf32>
      %swap3A_609 = vector.shape_cast %mul3A_600 : vector<16xf32> to vector<1x16xf32>
      tpu.vector_store %arg7[%swap3A_605, %swap3A_606], %swap3A_609 {strides = array<i32>} : memref<128x64xf32, #tpu.memory_space<vmem>>, vector<1x16xf32>,
      %mul3A_610 = vector.broadcast %scan3A : f32 to vector<16xf32>
      %mul3A_611 = arith.mulf %parallel_loop3A_477#12, %mul3A_610 : vector<16xf32>
      %mul3A_612 = arith.constant 4 : i32
      %mul3A_613 = arith.muli %add3A_460, %mul3A_612 : i32
      %add3A_614 = arith.constant 3 : i32
      %add3A_615 = arith.addi %mul3A_613, %add3A_614 : i32
      %swap3A_616 = arith.index_cast %add3A_615 : i32 to index
      %swap3A_617 = arith.constant 0 : index
      %swap3A_618 = tpu.vector_load %arg7[%swap3A_616, %swap3A_617] {strides = array<i32>} : memref<128x64xf32, #tpu.memory_space<vmem>>, vector<1x16xf32>,
      %swap3A_619 = vector.shape_cast %swap3A_618 : vector<1x16xf32> to vector<16xf32>
      %swap3A_620 = vector.shape_cast %mul3A_611 : vector<16xf32> to vector<1x16xf32>
      tpu.vector_store %arg7[%swap3A_616, %swap3A_617], %swap3A_620 {strides = array<i32>} : memref<128x64xf32, #tpu.memory_space<vmem>>, vector<1x16xf32>,
      %mul3A_621 = vector.broadcast %scan3A : f32 to vector<16xf32>
      %mul3A_622 = arith.mulf %parallel_loop3A_477#13, %mul3A_621 : vector<16xf32>
      %mul3A_623 = arith.constant 4 : i32
      %mul3A_624 = arith.muli %add3A_460, %mul3A_623 : i32
      %add3A_625 = arith.constant 3 : i32
      %add3A_626 = arith.addi %mul3A_624, %add3A_625 : i32
      %swap3A_627 = arith.index_cast %add3A_626 : i32 to index
      %swap3A_628 = arith.constant 16 : index
      %swap3A_629 = tpu.vector_load %arg7[%swap3A_627, %swap3A_628] {strides = array<i32>} : memref<128x64xf32, #tpu.memory_space<vmem>>, vector<1x16xf32>,
      %swap3A_630 = vector.shape_cast %swap3A_629 : vector<1x16xf32> to vector<16xf32>
      %swap3A_631 = vector.shape_cast %mul3A_622 : vector<16xf32> to vector<1x16xf32>
      tpu.vector_store %arg7[%swap3A_627, %swap3A_628], %swap3A_631 {strides = array<i32>} : memref<128x64xf32, #tpu.memory_space<vmem>>, vector<1x16xf32>,
      %mul3A_632 = vector.broadcast %scan3A : f32 to vector<16xf32>
      %mul3A_633 = arith.mulf %parallel_loop3A_477#14, %mul3A_632 : vector<16xf32>
      %mul3A_634 = arith.constant 4 : i32
      %mul3A_635 = arith.muli %add3A_460, %mul3A_634 : i32
      %add3A_636 = arith.constant 3 : i32
      %add3A_637 = arith.addi %mul3A_635, %add3A_636 : i32
      %swap3A_638 = arith.index_cast %add3A_637 : i32 to index
      %swap3A_639 = arith.constant 32 : index
      %swap3A_640 = tpu.vector_load %arg7[%swap3A_638, %swap3A_639] {strides = array<i32>} : memref<128x64xf32, #tpu.memory_space<vmem>>, vector<1x16xf32>,
      %swap3A_641 = vector.shape_cast %swap3A_640 : vector<1x16xf32> to vector<16xf32>
      %swap3A_642 = vector.shape_cast %mul3A_633 : vector<16xf32> to vector<1x16xf32>
      tpu.vector_store %arg7[%swap3A_638, %swap3A_639], %swap3A_642 {strides = array<i32>} : memref<128x64xf32, #tpu.memory_space<vmem>>, vector<1x16xf32>,
      %mul3A_643 = vector.broadcast %scan3A : f32 to vector<16xf32>
      %mul3A_644 = arith.mulf %parallel_loop3A_477#15, %mul3A_643 : vector<16xf32>
      %mul3A_645 = arith.constant 4 : i32
      %mul3A_646 = arith.muli %add3A_460, %mul3A_645 : i32
      %add3A_647 = arith.constant 3 : i32
      %add3A_648 = arith.addi %mul3A_646, %add3A_647 : i32
      %swap3A_649 = arith.index_cast %add3A_648 : i32 to index
      %swap3A_650 = arith.constant 48 : index
      %swap3A_651 = tpu.vector_load %arg7[%swap3A_649, %swap3A_650] {strides = array<i32>} : memref<128x64xf32, #tpu.memory_space<vmem>>, vector<1x16xf32>,
      %swap3A_652 = vector.shape_cast %swap3A_651 : vector<1x16xf32> to vector<16xf32>
      %swap3A_653 = vector.shape_cast %mul3A_644 : vector<16xf32> to vector<1x16xf32>
      tpu.vector_store %arg7[%swap3A_649, %swap3A_650], %swap3A_653 {strides = array<i32>} : memref<128x64xf32, #tpu.memory_space<vmem>>, vector<1x16xf32>,
      %add3A_654 = arith.constant 4 : i32
      %add3A_655 = arith.addi %add3A_460, %add3A_654 : i32
      %lt3A_656 = arith.constant 32 : i32
      %lt3A_657 = arith.cmpi slt, %add3A_655, %lt3A_656 : i32
      %convert_element_type3A_658 = arith.extui %lt3A_657 : i1 to i32
      %cond3A_659 = arith.constant 0 : i32
      %cond3A_660 = arith.cmpi ne, %convert_element_type3A_658, %cond3A_659 : i32
      scf.if %cond3A_660 {
        %add3A_865 = arith.constant 4 : i32
        %add3A_866 = arith.addi %add3A_460, %add3A_865 : i32
        %dma_start3A_867 = arith.constant 2 : i32
        %dma_start3A_868 = arith.constant 0 : i32
        %dma_start3A_869 = arith.constant 0 : i32
        %dma_start3A_870 = tpu.memref_slice %arg6[%dma_start3A_867, %dma_start3A_868, %dma_start3A_869] : memref<4x200x64xf32, #tpu.memory_space<vmem>> -> memref<1x200x64xf32, #tpu.memory_space<vmem>>
        %dma_start3A_871 = tpu.memref_squeeze %dma_start3A_870 : memref<1x200x64xf32, #tpu.memory_space<vmem>> -> memref<200x64xf32, #tpu.memory_space<vmem>>
        %dma_start3A_872 = arith.constant 0 : i32
        %dma_start3A_873 = tpu.memref_slice %arg5[%add3A_866, %dma_start3A_872] : memref<32x200xi32, #tpu.memory_space<vmem>> -> memref<1x200xi32, #tpu.memory_space<vmem>>
        %dma_start3A_874 = tpu.memref_squeeze %dma_start3A_873 : memref<1x200xi32, #tpu.memory_space<vmem>> -> memref<200xi32, #tpu.memory_space<vmem>>
        %dma_start3A_875 = arith.constant 0 : i32
        %dma_start3A_876 = arith.constant 0 : i32
        %dma_start3A_877 = tpu.memref_slice %arg3[%dma_start3A_875, %dma_start3A_876] : memref<100000x64xf32, #tpu.memory_space<hbm>> -> memref<100000x64xf32, #tpu.memory_space<hbm>>
        tpu.enqueue_indirect_dma source(%dma_start3A_877 : memref<100000x64xf32, #tpu.memory_space<hbm>>) target(%dma_start3A_871 : memref<200x64xf32, #tpu.memory_space<vmem>>) offsets(%dma_start3A_874 : memref<200xi32, #tpu.memory_space<vmem>>) semaphore(%arg10 : memref<!tpu.dma_semaphore, #tpu.memory_space<semaphore_mem>>)
      } else {
      }
      %mul3A_661 = arith.constant 4 : i32
      %mul3A_662 = arith.muli %scan3A_55, %mul3A_661 : i32
      %add3A_663 = arith.constant 3 : i32
      %add3A_664 = arith.addi %mul3A_662, %add3A_663 : i32
      %dma_wait3A_665 = arith.constant 3 : i32
      %dma_wait3A_666 = arith.constant 0 : i32
      %dma_wait3A_667 = arith.constant 0 : i32
      %dma_wait3A_668 = tpu.memref_slice %arg6[%dma_wait3A_665, %dma_wait3A_666, %dma_wait3A_667] : memref<4x200x64xf32, #tpu.memory_space<vmem>> -> memref<1x200x64xf32, #tpu.memory_space<vmem>>
      %dma_wait3A_669 = tpu.memref_squeeze %dma_wait3A_668 : memref<1x200x64xf32, #tpu.memory_space<vmem>> -> memref<200x64xf32, #tpu.memory_space<vmem>>
      %dma_wait3A_670 = arith.constant 0 : i32
      %dma_wait3A_671 = tpu.memref_slice %arg5[%add3A_664, %dma_wait3A_670] : memref<32x200xi32, #tpu.memory_space<vmem>> -> memref<1x200xi32, #tpu.memory_space<vmem>>
      %dma_wait3A_672 = tpu.memref_squeeze %dma_wait3A_671 : memref<1x200xi32, #tpu.memory_space<vmem>> -> memref<200xi32, #tpu.memory_space<vmem>>
      %dma_wait3A_673 = arith.constant 0 : i32
      %dma_wait3A_674 = arith.constant 0 : i32
      %dma_wait3A_675 = tpu.memref_slice %arg3[%dma_wait3A_673, %dma_wait3A_674] : memref<100000x64xf32, #tpu.memory_space<hbm>> -> memref<100000x64xf32, #tpu.memory_space<hbm>>
      tpu.wait_indirect_dma semaphore(%arg11 : memref<!tpu.dma_semaphore, #tpu.memory_space<semaphore_mem>>) src(%dma_wait3A_675 : memref<100000x64xf32, #tpu.memory_space<hbm>>) dst(%dma_wait3A_669 : memref<200x64xf32, #tpu.memory_space<vmem>>)
      %broadcast_in_dim3A_676 = arith.constant 0.000000e+00 : f32
      %broadcast_in_dim3A_677 = vector.broadcast %broadcast_in_dim3A_676 : f32 to vector<16xf32>
      %parallel_loop3A_678 = arith.constant 0 : i32
      %parallel_loop3A_679 = arith.constant 50 : i32
      %parallel_loop3A_680 = arith.constant 1 : i32
      %parallel_loop3A_681:16 = scf.for %parallel_loop3A_865 = %parallel_loop3A_678 to %parallel_loop3A_679 step %parallel_loop3A_680 iter_args(%parallel_loop3A_866 = %broadcast_in_dim3A_677, %parallel_loop3A_867 = %broadcast_in_dim3A_677, %parallel_loop3A_868 = %broadcast_in_dim3A_677, %parallel_loop3A_869 = %broadcast_in_dim3A_677, %parallel_loop3A_870 = %broadcast_in_dim3A_677, %parallel_loop3A_871 = %broadcast_in_dim3A_677, %parallel_loop3A_872 = %broadcast_in_dim3A_677, %parallel_loop3A_873 = %broadcast_in_dim3A_677, %parallel_loop3A_874 = %broadcast_in_dim3A_677, %parallel_loop3A_875 = %broadcast_in_dim3A_677, %parallel_loop3A_876 = %broadcast_in_dim3A_677, %parallel_loop3A_877 = %broadcast_in_dim3A_677, %parallel_loop3A_878 = %broadcast_in_dim3A_677, %parallel_loop3A_879 = %broadcast_in_dim3A_677, %parallel_loop3A_880 = %broadcast_in_dim3A_677, %parallel_loop3A_881 = %broadcast_in_dim3A_677) -> (vector<16xf32>, vector<16xf32>, vector<16xf32>, vector<16xf32>, vector<16xf32>, vector<16xf32>, vector<16xf32>, vector<16xf32>, vector<16xf32>, vector<16xf32>, vector<16xf32>, vector<16xf32>, vector<16xf32>, vector<16xf32>, vector<16xf32>, vector<16xf32>)  : i32 {
        %parallel_loop3A_882 = arith.constant 0 : i32
        %parallel_loop3A_883 = arith.addi %parallel_loop3A_882, %parallel_loop3A_865 : i32
        %parallel_loop3A_884 = arith.constant 3 : i32
        %parallel_loop3A_885 = arith.index_cast %parallel_loop3A_884 : i32 to index
        %parallel_loop3A_886 = arith.index_cast %parallel_loop3A_883 : i32 to index
        %parallel_loop3A_887 = arith.constant 0 : index
        %parallel_loop3A_888 = tpu.vector_load %arg6[%parallel_loop3A_885, %parallel_loop3A_886, %parallel_loop3A_887] {strides = array<i32>} : memref<4x200x64xf32, #tpu.memory_space<vmem>>, vector<1x1x16xf32>,
        %parallel_loop3A_889 = vector.shape_cast %parallel_loop3A_888 : vector<1x1x16xf32> to vector<16xf32>
        %parallel_loop3A_890 = arith.addf %parallel_loop3A_866, %parallel_loop3A_889 : vector<16xf32>
        %parallel_loop3A_891 = arith.constant 0 : i32
        %parallel_loop3A_892 = arith.addi %parallel_loop3A_891, %parallel_loop3A_865 : i32
        %parallel_loop3A_893 = arith.constant 3 : i32
        %parallel_loop3A_894 = arith.index_cast %parallel_loop3A_893 : i32 to index
        %parallel_loop3A_895 = arith.index_cast %parallel_loop3A_892 : i32 to index
        %parallel_loop3A_896 = arith.constant 16 : index
        %parallel_loop3A_897 = tpu.vector_load %arg6[%parallel_loop3A_894, %parallel_loop3A_895, %parallel_loop3A_896] {strides = array<i32>} : memref<4x200x64xf32, #tpu.memory_space<vmem>>, vector<1x1x16xf32>,
        %parallel_loop3A_898 = vector.shape_cast %parallel_loop3A_897 : vector<1x1x16xf32> to vector<16xf32>
        %parallel_loop3A_899 = arith.addf %parallel_loop3A_867, %parallel_loop3A_898 : vector<16xf32>
        %parallel_loop3A_900 = arith.constant 0 : i32
        %parallel_loop3A_901 = arith.addi %parallel_loop3A_900, %parallel_loop3A_865 : i32
        %parallel_loop3A_902 = arith.constant 3 : i32
        %parallel_loop3A_903 = arith.index_cast %parallel_loop3A_902 : i32 to index
        %parallel_loop3A_904 = arith.index_cast %parallel_loop3A_901 : i32 to index
        %parallel_loop3A_905 = arith.constant 32 : index
        %parallel_loop3A_906 = tpu.vector_load %arg6[%parallel_loop3A_903, %parallel_loop3A_904, %parallel_loop3A_905] {strides = array<i32>} : memref<4x200x64xf32, #tpu.memory_space<vmem>>, vector<1x1x16xf32>,
        %parallel_loop3A_907 = vector.shape_cast %parallel_loop3A_906 : vector<1x1x16xf32> to vector<16xf32>
        %parallel_loop3A_908 = arith.addf %parallel_loop3A_868, %parallel_loop3A_907 : vector<16xf32>
        %parallel_loop3A_909 = arith.constant 0 : i32
        %parallel_loop3A_910 = arith.addi %parallel_loop3A_909, %parallel_loop3A_865 : i32
        %parallel_loop3A_911 = arith.constant 3 : i32
        %parallel_loop3A_912 = arith.index_cast %parallel_loop3A_911 : i32 to index
        %parallel_loop3A_913 = arith.index_cast %parallel_loop3A_910 : i32 to index
        %parallel_loop3A_914 = arith.constant 48 : index
        %parallel_loop3A_915 = tpu.vector_load %arg6[%parallel_loop3A_912, %parallel_loop3A_913, %parallel_loop3A_914] {strides = array<i32>} : memref<4x200x64xf32, #tpu.memory_space<vmem>>, vector<1x1x16xf32>,
        %parallel_loop3A_916 = vector.shape_cast %parallel_loop3A_915 : vector<1x1x16xf32> to vector<16xf32>
        %parallel_loop3A_917 = arith.addf %parallel_loop3A_869, %parallel_loop3A_916 : vector<16xf32>
        %parallel_loop3A_918 = arith.constant 50 : i32
        %parallel_loop3A_919 = arith.addi %parallel_loop3A_918, %parallel_loop3A_865 : i32
        %parallel_loop3A_920 = arith.constant 3 : i32
        %parallel_loop3A_921 = arith.index_cast %parallel_loop3A_920 : i32 to index
        %parallel_loop3A_922 = arith.index_cast %parallel_loop3A_919 : i32 to index
        %parallel_loop3A_923 = arith.constant 0 : index
        %parallel_loop3A_924 = tpu.vector_load %arg6[%parallel_loop3A_921, %parallel_loop3A_922, %parallel_loop3A_923] {strides = array<i32>} : memref<4x200x64xf32, #tpu.memory_space<vmem>>, vector<1x1x16xf32>,
        %parallel_loop3A_925 = vector.shape_cast %parallel_loop3A_924 : vector<1x1x16xf32> to vector<16xf32>
        %parallel_loop3A_926 = arith.addf %parallel_loop3A_870, %parallel_loop3A_925 : vector<16xf32>
        %parallel_loop3A_927 = arith.constant 50 : i32
        %parallel_loop3A_928 = arith.addi %parallel_loop3A_927, %parallel_loop3A_865 : i32
        %parallel_loop3A_929 = arith.constant 3 : i32
        %parallel_loop3A_930 = arith.index_cast %parallel_loop3A_929 : i32 to index
        %parallel_loop3A_931 = arith.index_cast %parallel_loop3A_928 : i32 to index
        %parallel_loop3A_932 = arith.constant 16 : index
        %parallel_loop3A_933 = tpu.vector_load %arg6[%parallel_loop3A_930, %parallel_loop3A_931, %parallel_loop3A_932] {strides = array<i32>} : memref<4x200x64xf32, #tpu.memory_space<vmem>>, vector<1x1x16xf32>,
        %parallel_loop3A_934 = vector.shape_cast %parallel_loop3A_933 : vector<1x1x16xf32> to vector<16xf32>
        %parallel_loop3A_935 = arith.addf %parallel_loop3A_871, %parallel_loop3A_934 : vector<16xf32>
        %parallel_loop3A_936 = arith.constant 50 : i32
        %parallel_loop3A_937 = arith.addi %parallel_loop3A_936, %parallel_loop3A_865 : i32
        %parallel_loop3A_938 = arith.constant 3 : i32
        %parallel_loop3A_939 = arith.index_cast %parallel_loop3A_938 : i32 to index
        %parallel_loop3A_940 = arith.index_cast %parallel_loop3A_937 : i32 to index
        %parallel_loop3A_941 = arith.constant 32 : index
        %parallel_loop3A_942 = tpu.vector_load %arg6[%parallel_loop3A_939, %parallel_loop3A_940, %parallel_loop3A_941] {strides = array<i32>} : memref<4x200x64xf32, #tpu.memory_space<vmem>>, vector<1x1x16xf32>,
        %parallel_loop3A_943 = vector.shape_cast %parallel_loop3A_942 : vector<1x1x16xf32> to vector<16xf32>
        %parallel_loop3A_944 = arith.addf %parallel_loop3A_872, %parallel_loop3A_943 : vector<16xf32>
        %parallel_loop3A_945 = arith.constant 50 : i32
        %parallel_loop3A_946 = arith.addi %parallel_loop3A_945, %parallel_loop3A_865 : i32
        %parallel_loop3A_947 = arith.constant 3 : i32
        %parallel_loop3A_948 = arith.index_cast %parallel_loop3A_947 : i32 to index
        %parallel_loop3A_949 = arith.index_cast %parallel_loop3A_946 : i32 to index
        %parallel_loop3A_950 = arith.constant 48 : index
        %parallel_loop3A_951 = tpu.vector_load %arg6[%parallel_loop3A_948, %parallel_loop3A_949, %parallel_loop3A_950] {strides = array<i32>} : memref<4x200x64xf32, #tpu.memory_space<vmem>>, vector<1x1x16xf32>,
        %parallel_loop3A_952 = vector.shape_cast %parallel_loop3A_951 : vector<1x1x16xf32> to vector<16xf32>
        %parallel_loop3A_953 = arith.addf %parallel_loop3A_873, %parallel_loop3A_952 : vector<16xf32>
        %parallel_loop3A_954 = arith.constant 100 : i32
        %parallel_loop3A_955 = arith.addi %parallel_loop3A_954, %parallel_loop3A_865 : i32
        %parallel_loop3A_956 = arith.constant 3 : i32
        %parallel_loop3A_957 = arith.index_cast %parallel_loop3A_956 : i32 to index
        %parallel_loop3A_958 = arith.index_cast %parallel_loop3A_955 : i32 to index
        %parallel_loop3A_959 = arith.constant 0 : index
        %parallel_loop3A_960 = tpu.vector_load %arg6[%parallel_loop3A_957, %parallel_loop3A_958, %parallel_loop3A_959] {strides = array<i32>} : memref<4x200x64xf32, #tpu.memory_space<vmem>>, vector<1x1x16xf32>,
        %parallel_loop3A_961 = vector.shape_cast %parallel_loop3A_960 : vector<1x1x16xf32> to vector<16xf32>
        %parallel_loop3A_962 = arith.addf %parallel_loop3A_874, %parallel_loop3A_961 : vector<16xf32>
        %parallel_loop3A_963 = arith.constant 100 : i32
        %parallel_loop3A_964 = arith.addi %parallel_loop3A_963, %parallel_loop3A_865 : i32
        %parallel_loop3A_965 = arith.constant 3 : i32
        %parallel_loop3A_966 = arith.index_cast %parallel_loop3A_965 : i32 to index
        %parallel_loop3A_967 = arith.index_cast %parallel_loop3A_964 : i32 to index
        %parallel_loop3A_968 = arith.constant 16 : index
        %parallel_loop3A_969 = tpu.vector_load %arg6[%parallel_loop3A_966, %parallel_loop3A_967, %parallel_loop3A_968] {strides = array<i32>} : memref<4x200x64xf32, #tpu.memory_space<vmem>>, vector<1x1x16xf32>,
        %parallel_loop3A_970 = vector.shape_cast %parallel_loop3A_969 : vector<1x1x16xf32> to vector<16xf32>
        %parallel_loop3A_971 = arith.addf %parallel_loop3A_875, %parallel_loop3A_970 : vector<16xf32>
        %parallel_loop3A_972 = arith.constant 100 : i32
        %parallel_loop3A_973 = arith.addi %parallel_loop3A_972, %parallel_loop3A_865 : i32
        %parallel_loop3A_974 = arith.constant 3 : i32
        %parallel_loop3A_975 = arith.index_cast %parallel_loop3A_974 : i32 to index
        %parallel_loop3A_976 = arith.index_cast %parallel_loop3A_973 : i32 to index
        %parallel_loop3A_977 = arith.constant 32 : index
        %parallel_loop3A_978 = tpu.vector_load %arg6[%parallel_loop3A_975, %parallel_loop3A_976, %parallel_loop3A_977] {strides = array<i32>} : memref<4x200x64xf32, #tpu.memory_space<vmem>>, vector<1x1x16xf32>,
        %parallel_loop3A_979 = vector.shape_cast %parallel_loop3A_978 : vector<1x1x16xf32> to vector<16xf32>
        %parallel_loop3A_980 = arith.addf %parallel_loop3A_876, %parallel_loop3A_979 : vector<16xf32>
        %parallel_loop3A_981 = arith.constant 100 : i32
        %parallel_loop3A_982 = arith.addi %parallel_loop3A_981, %parallel_loop3A_865 : i32
        %parallel_loop3A_983 = arith.constant 3 : i32
        %parallel_loop3A_984 = arith.index_cast %parallel_loop3A_983 : i32 to index
        %parallel_loop3A_985 = arith.index_cast %parallel_loop3A_982 : i32 to index
        %parallel_loop3A_986 = arith.constant 48 : index
        %parallel_loop3A_987 = tpu.vector_load %arg6[%parallel_loop3A_984, %parallel_loop3A_985, %parallel_loop3A_986] {strides = array<i32>} : memref<4x200x64xf32, #tpu.memory_space<vmem>>, vector<1x1x16xf32>,
        %parallel_loop3A_988 = vector.shape_cast %parallel_loop3A_987 : vector<1x1x16xf32> to vector<16xf32>
        %parallel_loop3A_989 = arith.addf %parallel_loop3A_877, %parallel_loop3A_988 : vector<16xf32>
        %parallel_loop3A_990 = arith.constant 150 : i32
        %parallel_loop3A_991 = arith.addi %parallel_loop3A_990, %parallel_loop3A_865 : i32
        %parallel_loop3A_992 = arith.constant 3 : i32
        %parallel_loop3A_993 = arith.index_cast %parallel_loop3A_992 : i32 to index
        %parallel_loop3A_994 = arith.index_cast %parallel_loop3A_991 : i32 to index
        %parallel_loop3A_995 = arith.constant 0 : index
        %parallel_loop3A_996 = tpu.vector_load %arg6[%parallel_loop3A_993, %parallel_loop3A_994, %parallel_loop3A_995] {strides = array<i32>} : memref<4x200x64xf32, #tpu.memory_space<vmem>>, vector<1x1x16xf32>,
        %parallel_loop3A_997 = vector.shape_cast %parallel_loop3A_996 : vector<1x1x16xf32> to vector<16xf32>
        %parallel_loop3A_998 = arith.addf %parallel_loop3A_878, %parallel_loop3A_997 : vector<16xf32>
        %parallel_loop3A_999 = arith.constant 150 : i32
        %parallel_loop3A_1000 = arith.addi %parallel_loop3A_999, %parallel_loop3A_865 : i32
        %parallel_loop3A_1001 = arith.constant 3 : i32
        %parallel_loop3A_1002 = arith.index_cast %parallel_loop3A_1001 : i32 to index
        %parallel_loop3A_1003 = arith.index_cast %parallel_loop3A_1000 : i32 to index
        %parallel_loop3A_1004 = arith.constant 16 : index
        %parallel_loop3A_1005 = tpu.vector_load %arg6[%parallel_loop3A_1002, %parallel_loop3A_1003, %parallel_loop3A_1004] {strides = array<i32>} : memref<4x200x64xf32, #tpu.memory_space<vmem>>, vector<1x1x16xf32>,
        %parallel_loop3A_1006 = vector.shape_cast %parallel_loop3A_1005 : vector<1x1x16xf32> to vector<16xf32>
        %parallel_loop3A_1007 = arith.addf %parallel_loop3A_879, %parallel_loop3A_1006 : vector<16xf32>
        %parallel_loop3A_1008 = arith.constant 150 : i32
        %parallel_loop3A_1009 = arith.addi %parallel_loop3A_1008, %parallel_loop3A_865 : i32
        %parallel_loop3A_1010 = arith.constant 3 : i32
        %parallel_loop3A_1011 = arith.index_cast %parallel_loop3A_1010 : i32 to index
        %parallel_loop3A_1012 = arith.index_cast %parallel_loop3A_1009 : i32 to index
        %parallel_loop3A_1013 = arith.constant 32 : index
        %parallel_loop3A_1014 = tpu.vector_load %arg6[%parallel_loop3A_1011, %parallel_loop3A_1012, %parallel_loop3A_1013] {strides = array<i32>} : memref<4x200x64xf32, #tpu.memory_space<vmem>>, vector<1x1x16xf32>,
        %parallel_loop3A_1015 = vector.shape_cast %parallel_loop3A_1014 : vector<1x1x16xf32> to vector<16xf32>
        %parallel_loop3A_1016 = arith.addf %parallel_loop3A_880, %parallel_loop3A_1015 : vector<16xf32>
        %parallel_loop3A_1017 = arith.constant 150 : i32
        %parallel_loop3A_1018 = arith.addi %parallel_loop3A_1017, %parallel_loop3A_865 : i32
        %parallel_loop3A_1019 = arith.constant 3 : i32
        %parallel_loop3A_1020 = arith.index_cast %parallel_loop3A_1019 : i32 to index
        %parallel_loop3A_1021 = arith.index_cast %parallel_loop3A_1018 : i32 to index
        %parallel_loop3A_1022 = arith.constant 48 : index
        %parallel_loop3A_1023 = tpu.vector_load %arg6[%parallel_loop3A_1020, %parallel_loop3A_1021, %parallel_loop3A_1022] {strides = array<i32>} : memref<4x200x64xf32, #tpu.memory_space<vmem>>, vector<1x1x16xf32>,
        %parallel_loop3A_1024 = vector.shape_cast %parallel_loop3A_1023 : vector<1x1x16xf32> to vector<16xf32>
        %parallel_loop3A_1025 = arith.addf %parallel_loop3A_881, %parallel_loop3A_1024 : vector<16xf32>
        scf.yield %parallel_loop3A_890, %parallel_loop3A_899, %parallel_loop3A_908, %parallel_loop3A_917, %parallel_loop3A_926, %parallel_loop3A_935, %parallel_loop3A_944, %parallel_loop3A_953, %parallel_loop3A_962, %parallel_loop3A_971, %parallel_loop3A_980, %parallel_loop3A_989, %parallel_loop3A_998, %parallel_loop3A_1007, %parallel_loop3A_1016, %parallel_loop3A_1025 : vector<16xf32>, vector<16xf32>, vector<16xf32>, vector<16xf32>, vector<16xf32>, vector<16xf32>, vector<16xf32>, vector<16xf32>, vector<16xf32>, vector<16xf32>, vector<16xf32>, vector<16xf32>, vector<16xf32>, vector<16xf32>, vector<16xf32>, vector<16xf32>
      } {sc.loop_unroll_factor = 5 : i64, sc.parallel_access}
      %mul3A_682 = vector.broadcast %scan3A : f32 to vector<16xf32>
      %mul3A_683 = arith.mulf %parallel_loop3A_681#0, %mul3A_682 : vector<16xf32>
      %mul3A_684 = arith.constant 4 : i32
      %mul3A_685 = arith.muli %add3A_664, %mul3A_684 : i32
      %add3A_686 = arith.constant 0 : i32
      %add3A_687 = arith.addi %mul3A_685, %add3A_686 : i32
      %swap3A_688 = arith.index_cast %add3A_687 : i32 to index
      %swap3A_689 = arith.constant 0 : index
      %swap3A_690 = tpu.vector_load %arg7[%swap3A_688, %swap3A_689] {strides = array<i32>} : memref<128x64xf32, #tpu.memory_space<vmem>>, vector<1x16xf32>,
      %swap3A_691 = vector.shape_cast %swap3A_690 : vector<1x16xf32> to vector<16xf32>
      %swap3A_692 = vector.shape_cast %mul3A_683 : vector<16xf32> to vector<1x16xf32>
      tpu.vector_store %arg7[%swap3A_688, %swap3A_689], %swap3A_692 {strides = array<i32>} : memref<128x64xf32, #tpu.memory_space<vmem>>, vector<1x16xf32>,
      %mul3A_693 = vector.broadcast %scan3A : f32 to vector<16xf32>
      %mul3A_694 = arith.mulf %parallel_loop3A_681#1, %mul3A_693 : vector<16xf32>
      %mul3A_695 = arith.constant 4 : i32
      %mul3A_696 = arith.muli %add3A_664, %mul3A_695 : i32
      %add3A_697 = arith.constant 0 : i32
      %add3A_698 = arith.addi %mul3A_696, %add3A_697 : i32
      %swap3A_699 = arith.index_cast %add3A_698 : i32 to index
      %swap3A_700 = arith.constant 16 : index
      %swap3A_701 = tpu.vector_load %arg7[%swap3A_699, %swap3A_700] {strides = array<i32>} : memref<128x64xf32, #tpu.memory_space<vmem>>, vector<1x16xf32>,
      %swap3A_702 = vector.shape_cast %swap3A_701 : vector<1x16xf32> to vector<16xf32>
      %swap3A_703 = vector.shape_cast %mul3A_694 : vector<16xf32> to vector<1x16xf32>
      tpu.vector_store %arg7[%swap3A_699, %swap3A_700], %swap3A_703 {strides = array<i32>} : memref<128x64xf32, #tpu.memory_space<vmem>>, vector<1x16xf32>,
      %mul3A_704 = vector.broadcast %scan3A : f32 to vector<16xf32>
      %mul3A_705 = arith.mulf %parallel_loop3A_681#2, %mul3A_704 : vector<16xf32>
      %mul3A_706 = arith.constant 4 : i32
      %mul3A_707 = arith.muli %add3A_664, %mul3A_706 : i32
      %add3A_708 = arith.constant 0 : i32
      %add3A_709 = arith.addi %mul3A_707, %add3A_708 : i32
      %swap3A_710 = arith.index_cast %add3A_709 : i32 to index
      %swap3A_711 = arith.constant 32 : index
      %swap3A_712 = tpu.vector_load %arg7[%swap3A_710, %swap3A_711] {strides = array<i32>} : memref<128x64xf32, #tpu.memory_space<vmem>>, vector<1x16xf32>,
      %swap3A_713 = vector.shape_cast %swap3A_712 : vector<1x16xf32> to vector<16xf32>
      %swap3A_714 = vector.shape_cast %mul3A_705 : vector<16xf32> to vector<1x16xf32>
      tpu.vector_store %arg7[%swap3A_710, %swap3A_711], %swap3A_714 {strides = array<i32>} : memref<128x64xf32, #tpu.memory_space<vmem>>, vector<1x16xf32>,
      %mul3A_715 = vector.broadcast %scan3A : f32 to vector<16xf32>
      %mul3A_716 = arith.mulf %parallel_loop3A_681#3, %mul3A_715 : vector<16xf32>
      %mul3A_717 = arith.constant 4 : i32
      %mul3A_718 = arith.muli %add3A_664, %mul3A_717 : i32
      %add3A_719 = arith.constant 0 : i32
      %add3A_720 = arith.addi %mul3A_718, %add3A_719 : i32
      %swap3A_721 = arith.index_cast %add3A_720 : i32 to index
      %swap3A_722 = arith.constant 48 : index
      %swap3A_723 = tpu.vector_load %arg7[%swap3A_721, %swap3A_722] {strides = array<i32>} : memref<128x64xf32, #tpu.memory_space<vmem>>, vector<1x16xf32>,
      %swap3A_724 = vector.shape_cast %swap3A_723 : vector<1x16xf32> to vector<16xf32>
      %swap3A_725 = vector.shape_cast %mul3A_716 : vector<16xf32> to vector<1x16xf32>
      tpu.vector_store %arg7[%swap3A_721, %swap3A_722], %swap3A_725 {strides = array<i32>} : memref<128x64xf32, #tpu.memory_space<vmem>>, vector<1x16xf32>,
      %mul3A_726 = vector.broadcast %scan3A : f32 to vector<16xf32>
      %mul3A_727 = arith.mulf %parallel_loop3A_681#4, %mul3A_726 : vector<16xf32>
      %mul3A_728 = arith.constant 4 : i32
      %mul3A_729 = arith.muli %add3A_664, %mul3A_728 : i32
      %add3A_730 = arith.constant 1 : i32
      %add3A_731 = arith.addi %mul3A_729, %add3A_730 : i32
      %swap3A_732 = arith.index_cast %add3A_731 : i32 to index
      %swap3A_733 = arith.constant 0 : index
      %swap3A_734 = tpu.vector_load %arg7[%swap3A_732, %swap3A_733] {strides = array<i32>} : memref<128x64xf32, #tpu.memory_space<vmem>>, vector<1x16xf32>,
      %swap3A_735 = vector.shape_cast %swap3A_734 : vector<1x16xf32> to vector<16xf32>
      %swap3A_736 = vector.shape_cast %mul3A_727 : vector<16xf32> to vector<1x16xf32>
      tpu.vector_store %arg7[%swap3A_732, %swap3A_733], %swap3A_736 {strides = array<i32>} : memref<128x64xf32, #tpu.memory_space<vmem>>, vector<1x16xf32>,
      %mul3A_737 = vector.broadcast %scan3A : f32 to vector<16xf32>
      %mul3A_738 = arith.mulf %parallel_loop3A_681#5, %mul3A_737 : vector<16xf32>
      %mul3A_739 = arith.constant 4 : i32
      %mul3A_740 = arith.muli %add3A_664, %mul3A_739 : i32
      %add3A_741 = arith.constant 1 : i32
      %add3A_742 = arith.addi %mul3A_740, %add3A_741 : i32
      %swap3A_743 = arith.index_cast %add3A_742 : i32 to index
      %swap3A_744 = arith.constant 16 : index
      %swap3A_745 = tpu.vector_load %arg7[%swap3A_743, %swap3A_744] {strides = array<i32>} : memref<128x64xf32, #tpu.memory_space<vmem>>, vector<1x16xf32>,
      %swap3A_746 = vector.shape_cast %swap3A_745 : vector<1x16xf32> to vector<16xf32>
      %swap3A_747 = vector.shape_cast %mul3A_738 : vector<16xf32> to vector<1x16xf32>
      tpu.vector_store %arg7[%swap3A_743, %swap3A_744], %swap3A_747 {strides = array<i32>} : memref<128x64xf32, #tpu.memory_space<vmem>>, vector<1x16xf32>,
      %mul3A_748 = vector.broadcast %scan3A : f32 to vector<16xf32>
      %mul3A_749 = arith.mulf %parallel_loop3A_681#6, %mul3A_748 : vector<16xf32>
      %mul3A_750 = arith.constant 4 : i32
      %mul3A_751 = arith.muli %add3A_664, %mul3A_750 : i32
      %add3A_752 = arith.constant 1 : i32
      %add3A_753 = arith.addi %mul3A_751, %add3A_752 : i32
      %swap3A_754 = arith.index_cast %add3A_753 : i32 to index
      %swap3A_755 = arith.constant 32 : index
      %swap3A_756 = tpu.vector_load %arg7[%swap3A_754, %swap3A_755] {strides = array<i32>} : memref<128x64xf32, #tpu.memory_space<vmem>>, vector<1x16xf32>,
      %swap3A_757 = vector.shape_cast %swap3A_756 : vector<1x16xf32> to vector<16xf32>
      %swap3A_758 = vector.shape_cast %mul3A_749 : vector<16xf32> to vector<1x16xf32>
      tpu.vector_store %arg7[%swap3A_754, %swap3A_755], %swap3A_758 {strides = array<i32>} : memref<128x64xf32, #tpu.memory_space<vmem>>, vector<1x16xf32>,
      %mul3A_759 = vector.broadcast %scan3A : f32 to vector<16xf32>
      %mul3A_760 = arith.mulf %parallel_loop3A_681#7, %mul3A_759 : vector<16xf32>
      %mul3A_761 = arith.constant 4 : i32
      %mul3A_762 = arith.muli %add3A_664, %mul3A_761 : i32
      %add3A_763 = arith.constant 1 : i32
      %add3A_764 = arith.addi %mul3A_762, %add3A_763 : i32
      %swap3A_765 = arith.index_cast %add3A_764 : i32 to index
      %swap3A_766 = arith.constant 48 : index
      %swap3A_767 = tpu.vector_load %arg7[%swap3A_765, %swap3A_766] {strides = array<i32>} : memref<128x64xf32, #tpu.memory_space<vmem>>, vector<1x16xf32>,
      %swap3A_768 = vector.shape_cast %swap3A_767 : vector<1x16xf32> to vector<16xf32>
      %swap3A_769 = vector.shape_cast %mul3A_760 : vector<16xf32> to vector<1x16xf32>
      tpu.vector_store %arg7[%swap3A_765, %swap3A_766], %swap3A_769 {strides = array<i32>} : memref<128x64xf32, #tpu.memory_space<vmem>>, vector<1x16xf32>,
      %mul3A_770 = vector.broadcast %scan3A : f32 to vector<16xf32>
      %mul3A_771 = arith.mulf %parallel_loop3A_681#8, %mul3A_770 : vector<16xf32>
      %mul3A_772 = arith.constant 4 : i32
      %mul3A_773 = arith.muli %add3A_664, %mul3A_772 : i32
      %add3A_774 = arith.constant 2 : i32
      %add3A_775 = arith.addi %mul3A_773, %add3A_774 : i32
      %swap3A_776 = arith.index_cast %add3A_775 : i32 to index
      %swap3A_777 = arith.constant 0 : index
      %swap3A_778 = tpu.vector_load %arg7[%swap3A_776, %swap3A_777] {strides = array<i32>} : memref<128x64xf32, #tpu.memory_space<vmem>>, vector<1x16xf32>,
      %swap3A_779 = vector.shape_cast %swap3A_778 : vector<1x16xf32> to vector<16xf32>
      %swap3A_780 = vector.shape_cast %mul3A_771 : vector<16xf32> to vector<1x16xf32>
      tpu.vector_store %arg7[%swap3A_776, %swap3A_777], %swap3A_780 {strides = array<i32>} : memref<128x64xf32, #tpu.memory_space<vmem>>, vector<1x16xf32>,
      %mul3A_781 = vector.broadcast %scan3A : f32 to vector<16xf32>
      %mul3A_782 = arith.mulf %parallel_loop3A_681#9, %mul3A_781 : vector<16xf32>
      %mul3A_783 = arith.constant 4 : i32
      %mul3A_784 = arith.muli %add3A_664, %mul3A_783 : i32
      %add3A_785 = arith.constant 2 : i32
      %add3A_786 = arith.addi %mul3A_784, %add3A_785 : i32
      %swap3A_787 = arith.index_cast %add3A_786 : i32 to index
      %swap3A_788 = arith.constant 16 : index
      %swap3A_789 = tpu.vector_load %arg7[%swap3A_787, %swap3A_788] {strides = array<i32>} : memref<128x64xf32, #tpu.memory_space<vmem>>, vector<1x16xf32>,
      %swap3A_790 = vector.shape_cast %swap3A_789 : vector<1x16xf32> to vector<16xf32>
      %swap3A_791 = vector.shape_cast %mul3A_782 : vector<16xf32> to vector<1x16xf32>
      tpu.vector_store %arg7[%swap3A_787, %swap3A_788], %swap3A_791 {strides = array<i32>} : memref<128x64xf32, #tpu.memory_space<vmem>>, vector<1x16xf32>,
      %mul3A_792 = vector.broadcast %scan3A : f32 to vector<16xf32>
      %mul3A_793 = arith.mulf %parallel_loop3A_681#10, %mul3A_792 : vector<16xf32>
      %mul3A_794 = arith.constant 4 : i32
      %mul3A_795 = arith.muli %add3A_664, %mul3A_794 : i32
      %add3A_796 = arith.constant 2 : i32
      %add3A_797 = arith.addi %mul3A_795, %add3A_796 : i32
      %swap3A_798 = arith.index_cast %add3A_797 : i32 to index
      %swap3A_799 = arith.constant 32 : index
      %swap3A_800 = tpu.vector_load %arg7[%swap3A_798, %swap3A_799] {strides = array<i32>} : memref<128x64xf32, #tpu.memory_space<vmem>>, vector<1x16xf32>,
      %swap3A_801 = vector.shape_cast %swap3A_800 : vector<1x16xf32> to vector<16xf32>
      %swap3A_802 = vector.shape_cast %mul3A_793 : vector<16xf32> to vector<1x16xf32>
      tpu.vector_store %arg7[%swap3A_798, %swap3A_799], %swap3A_802 {strides = array<i32>} : memref<128x64xf32, #tpu.memory_space<vmem>>, vector<1x16xf32>,
      %mul3A_803 = vector.broadcast %scan3A : f32 to vector<16xf32>
      %mul3A_804 = arith.mulf %parallel_loop3A_681#11, %mul3A_803 : vector<16xf32>
      %mul3A_805 = arith.constant 4 : i32
      %mul3A_806 = arith.muli %add3A_664, %mul3A_805 : i32
      %add3A_807 = arith.constant 2 : i32
      %add3A_808 = arith.addi %mul3A_806, %add3A_807 : i32
      %swap3A_809 = arith.index_cast %add3A_808 : i32 to index
      %swap3A_810 = arith.constant 48 : index
      %swap3A_811 = tpu.vector_load %arg7[%swap3A_809, %swap3A_810] {strides = array<i32>} : memref<128x64xf32, #tpu.memory_space<vmem>>, vector<1x16xf32>,
      %swap3A_812 = vector.shape_cast %swap3A_811 : vector<1x16xf32> to vector<16xf32>
      %swap3A_813 = vector.shape_cast %mul3A_804 : vector<16xf32> to vector<1x16xf32>
      tpu.vector_store %arg7[%swap3A_809, %swap3A_810], %swap3A_813 {strides = array<i32>} : memref<128x64xf32, #tpu.memory_space<vmem>>, vector<1x16xf32>,
      %mul3A_814 = vector.broadcast %scan3A : f32 to vector<16xf32>
      %mul3A_815 = arith.mulf %parallel_loop3A_681#12, %mul3A_814 : vector<16xf32>
      %mul3A_816 = arith.constant 4 : i32
      %mul3A_817 = arith.muli %add3A_664, %mul3A_816 : i32
      %add3A_818 = arith.constant 3 : i32
      %add3A_819 = arith.addi %mul3A_817, %add3A_818 : i32
      %swap3A_820 = arith.index_cast %add3A_819 : i32 to index
      %swap3A_821 = arith.constant 0 : index
      %swap3A_822 = tpu.vector_load %arg7[%swap3A_820, %swap3A_821] {strides = array<i32>} : memref<128x64xf32, #tpu.memory_space<vmem>>, vector<1x16xf32>,
      %swap3A_823 = vector.shape_cast %swap3A_822 : vector<1x16xf32> to vector<16xf32>
      %swap3A_824 = vector.shape_cast %mul3A_815 : vector<16xf32> to vector<1x16xf32>
      tpu.vector_store %arg7[%swap3A_820, %swap3A_821], %swap3A_824 {strides = array<i32>} : memref<128x64xf32, #tpu.memory_space<vmem>>, vector<1x16xf32>,
      %mul3A_825 = vector.broadcast %scan3A : f32 to vector<16xf32>
      %mul3A_826 = arith.mulf %parallel_loop3A_681#13, %mul3A_825 : vector<16xf32>
      %mul3A_827 = arith.constant 4 : i32
      %mul3A_828 = arith.muli %add3A_664, %mul3A_827 : i32
      %add3A_829 = arith.constant 3 : i32
      %add3A_830 = arith.addi %mul3A_828, %add3A_829 : i32
      %swap3A_831 = arith.index_cast %add3A_830 : i32 to index
      %swap3A_832 = arith.constant 16 : index
      %swap3A_833 = tpu.vector_load %arg7[%swap3A_831, %swap3A_832] {strides = array<i32>} : memref<128x64xf32, #tpu.memory_space<vmem>>, vector<1x16xf32>,
      %swap3A_834 = vector.shape_cast %swap3A_833 : vector<1x16xf32> to vector<16xf32>
      %swap3A_835 = vector.shape_cast %mul3A_826 : vector<16xf32> to vector<1x16xf32>
      tpu.vector_store %arg7[%swap3A_831, %swap3A_832], %swap3A_835 {strides = array<i32>} : memref<128x64xf32, #tpu.memory_space<vmem>>, vector<1x16xf32>,
      %mul3A_836 = vector.broadcast %scan3A : f32 to vector<16xf32>
      %mul3A_837 = arith.mulf %parallel_loop3A_681#14, %mul3A_836 : vector<16xf32>
      %mul3A_838 = arith.constant 4 : i32
      %mul3A_839 = arith.muli %add3A_664, %mul3A_838 : i32
      %add3A_840 = arith.constant 3 : i32
      %add3A_841 = arith.addi %mul3A_839, %add3A_840 : i32
      %swap3A_842 = arith.index_cast %add3A_841 : i32 to index
      %swap3A_843 = arith.constant 32 : index
      %swap3A_844 = tpu.vector_load %arg7[%swap3A_842, %swap3A_843] {strides = array<i32>} : memref<128x64xf32, #tpu.memory_space<vmem>>, vector<1x16xf32>,
      %swap3A_845 = vector.shape_cast %swap3A_844 : vector<1x16xf32> to vector<16xf32>
      %swap3A_846 = vector.shape_cast %mul3A_837 : vector<16xf32> to vector<1x16xf32>
      tpu.vector_store %arg7[%swap3A_842, %swap3A_843], %swap3A_846 {strides = array<i32>} : memref<128x64xf32, #tpu.memory_space<vmem>>, vector<1x16xf32>,
      %mul3A_847 = vector.broadcast %scan3A : f32 to vector<16xf32>
      %mul3A_848 = arith.mulf %parallel_loop3A_681#15, %mul3A_847 : vector<16xf32>
      %mul3A_849 = arith.constant 4 : i32
      %mul3A_850 = arith.muli %add3A_664, %mul3A_849 : i32
      %add3A_851 = arith.constant 3 : i32
      %add3A_852 = arith.addi %mul3A_850, %add3A_851 : i32
      %swap3A_853 = arith.index_cast %add3A_852 : i32 to index
      %swap3A_854 = arith.constant 48 : index
      %swap3A_855 = tpu.vector_load %arg7[%swap3A_853, %swap3A_854] {strides = array<i32>} : memref<128x64xf32, #tpu.memory_space<vmem>>, vector<1x16xf32>,
      %swap3A_856 = vector.shape_cast %swap3A_855 : vector<1x16xf32> to vector<16xf32>
      %swap3A_857 = vector.shape_cast %mul3A_848 : vector<16xf32> to vector<1x16xf32>
      tpu.vector_store %arg7[%swap3A_853, %swap3A_854], %swap3A_857 {strides = array<i32>} : memref<128x64xf32, #tpu.memory_space<vmem>>, vector<1x16xf32>,
      %add3A_858 = arith.constant 4 : i32
      %add3A_859 = arith.addi %add3A_664, %add3A_858 : i32
      %lt3A_860 = arith.constant 32 : i32
      %lt3A_861 = arith.cmpi slt, %add3A_859, %lt3A_860 : i32
      %convert_element_type3A_862 = arith.extui %lt3A_861 : i1 to i32
      %cond3A_863 = arith.constant 0 : i32
      %cond3A_864 = arith.cmpi ne, %convert_element_type3A_862, %cond3A_863 : i32
      scf.if %cond3A_864 {
        %add3A_865 = arith.constant 4 : i32
        %add3A_866 = arith.addi %add3A_664, %add3A_865 : i32
        %dma_start3A_867 = arith.constant 3 : i32
        %dma_start3A_868 = arith.constant 0 : i32
        %dma_start3A_869 = arith.constant 0 : i32
        %dma_start3A_870 = tpu.memref_slice %arg6[%dma_start3A_867, %dma_start3A_868, %dma_start3A_869] : memref<4x200x64xf32, #tpu.memory_space<vmem>> -> memref<1x200x64xf32, #tpu.memory_space<vmem>>
        %dma_start3A_871 = tpu.memref_squeeze %dma_start3A_870 : memref<1x200x64xf32, #tpu.memory_space<vmem>> -> memref<200x64xf32, #tpu.memory_space<vmem>>
        %dma_start3A_872 = arith.constant 0 : i32
        %dma_start3A_873 = tpu.memref_slice %arg5[%add3A_866, %dma_start3A_872] : memref<32x200xi32, #tpu.memory_space<vmem>> -> memref<1x200xi32, #tpu.memory_space<vmem>>
        %dma_start3A_874 = tpu.memref_squeeze %dma_start3A_873 : memref<1x200xi32, #tpu.memory_space<vmem>> -> memref<200xi32, #tpu.memory_space<vmem>>
        %dma_start3A_875 = arith.constant 0 : i32
        %dma_start3A_876 = arith.constant 0 : i32
        %dma_start3A_877 = tpu.memref_slice %arg3[%dma_start3A_875, %dma_start3A_876] : memref<100000x64xf32, #tpu.memory_space<hbm>> -> memref<100000x64xf32, #tpu.memory_space<hbm>>
        tpu.enqueue_indirect_dma source(%dma_start3A_877 : memref<100000x64xf32, #tpu.memory_space<hbm>>) target(%dma_start3A_871 : memref<200x64xf32, #tpu.memory_space<vmem>>) offsets(%dma_start3A_874 : memref<200xi32, #tpu.memory_space<vmem>>) semaphore(%arg11 : memref<!tpu.dma_semaphore, #tpu.memory_space<semaphore_mem>>)
      } else {
      }
    }
    %scan3A_52 = arith.constant 8 : i32
    %mul3A_53 = arith.constant 128 : i32
    %mul3A_54 = arith.muli %add3A, %mul3A_53 : i32
    "tpu.region"() ({
      %run_scoped3A = tpu.sem_alloc : memref<!tpu.dma_semaphore, #tpu.memory_space<semaphore_mem>>
      %dma_start3A_55 = arith.constant 0 : i32
      %dma_start3A_56 = tpu.memref_slice %arg4[%mul3A_54, %dma_start3A_55] : memref<4096x64xf32, #tpu.memory_space<hbm>> -> memref<128x64xf32, #tpu.memory_space<hbm>>
      %dma_start3A_57 = arith.constant 0 : i32
      %dma_start3A_58 = tpu.memref_slice %arg4[%mul3A_54, %dma_start3A_57] : memref<4096x64xf32, #tpu.memory_space<hbm>> -> memref<128x64xf32, #tpu.memory_space<hbm>>
      tpu.enqueue_dma source(%arg7 : memref<128x64xf32, #tpu.memory_space<vmem>>) target(%dma_start3A_58 : memref<128x64xf32, #tpu.memory_space<hbm>>) target_semaphore(%run_scoped3A : memref<!tpu.dma_semaphore, #tpu.memory_space<semaphore_mem>>)
      %dma_wait3A = arith.constant 0 : i32
      %dma_wait3A_59 = tpu.memref_slice %arg4[%mul3A_54, %dma_wait3A] : memref<4096x64xf32, #tpu.memory_space<hbm>> -> memref<128x64xf32, #tpu.memory_space<hbm>>
      %dma_wait3A_60 = arith.constant 0 : i32
      %dma_wait3A_61 = tpu.memref_slice %arg4[%mul3A_54, %dma_wait3A_60] : memref<4096x64xf32, #tpu.memory_space<hbm>> -> memref<128x64xf32, #tpu.memory_space<hbm>>
      tpu.wait_dma2 semaphore(%run_scoped3A : memref<!tpu.dma_semaphore, #tpu.memory_space<semaphore_mem>>) src(%arg7 : memref<128x64xf32, #tpu.memory_space<vmem>>) dst(%dma_wait3A_61 : memref<128x64xf32, #tpu.memory_space<hbm>>)
      tpu.yield
    }) : () -> ()
    return
  }
}

</mosaic_0001>

<sc_bundles>
// kernel: _run.3.cloned.1.call-start
scs
__scs_entry_jumppad:
0x0: {  	(pc) =	sbr.rel $0x88, $3  }
0x1: {  	(tag) =	ssettag $0x0;
	lr =	simm.s32 $0x1  }
0x2: {  	[smem:$0x3F9F] =	sst lr;
	_ =	strace $0xD0000000  }
0x3: {  	_ = 	snop  }
0x4: {  	_ = 	snop  }
0x5: {  	_ = 	snop  }
0x6: {  	_ = 	snop  }
0x7: {  	_ = 	snop  }
__scs_overlays_trampoline_lowered:
0x8: {  	[smem:$0x3FAE] =	sst s0  }
0x9: {  	[smem:$0x3FAF] =	sst s1  }
0xa: {  	[smem:$0x3FB0] =	sst s2  }
0xb: {  	[smem:$0x3FB1] =	sst s3  }
0xc: {  	[smem:$0x3FB2] =	sst s4  }
0xd: {  	[smem:$0x3FB3] =	sst s5  }
0xe: {  	[smem:$0x3FB4] =	sst s6  }
0xf: {  	[smem:$0x3FB5] =	sst s7  }
0x10: {  	[smem:$0x3FB6] =	sst s8  }
0x11: {  	[smem:$0x3FB7] =	sst s9;
	s0 =	simm.s32 @!p0 $0x0  }
0x12: {  	s1 =	sld [smem:$0x3F9D];
	s0 =	simm.s32 @p0 $0x1  }
0x13: {  	[smem:$0x3FB8] =	sst s0;
	s0 =	simm.s32 @!p1 $0x0  }
0x14: {  	s2 =	sld [smem:$0x3F9C];
	s0 =	simm.s32 @p1 $0x1  }
0x15: {  	[smem:$0x3FB9] =	sst s0;
	s0 =	simm.s32 @!p2 $0x0  }
0x16: {  	s3 =	sld [smem:$0x3FDB];
	s0 =	simm.s32 @p2 $0x1  }
0x17: {  	s4 =	simm.s32 $0x1BF5;
	[smem:$0x3FBB] =	sst s0  }
0x18: {  	s0 =	sld [smem:$0x3F9E];
	_ =	swait.ge [sflag:s4], $0x0  }
0x19: {  	s7 =	sld [smem:$0x3F9F]  }
0x1a: {  	s8 =	sadd.s32 $0xFFFFE003, lr  }
0x1b: {  	s9 =	sadd.s32 $0xFFFFFEF7, lr;
	s5 =	simm.s32 $0xFFFFFFFF;
	p2 =	slt.u32 s8, $0xFFFFF086  }
0x1c: {  	p1 =	slt.u32 s9, $0xF7A;
	s5 =	simm.s32 @!p2 $0x0  }
0x1d: {  	s5 =	simm.s32 @p1 $0x1;
	p0 =	seq.s32 s7, s2  }
0x1e: {  	s7 =	smul.u32 @!p0 $0xF7A, s2;
	p2 =	seq.s32 @!p0 s5, $0x0  }
0x1f: {  	s9 =	smul.u32 $0xF7A, s1;
	s8 =	simm.s32 @!p0 $0x1BF5;
	p2 =	por !p2, p0  }
0x20: {  	[sflag:s8] =	ssyncset.s32 @!p0 $0xFFFFF086;
	s6 =	sadd.s32 @!p0 s3, s7;
	s7 =	simm.s32 @!p0 $0x108  }
0x21: {  	s3 =	sadd.s32 s3, s9;
	s6 =	sadd.s32 @!p0 $0x88, s6;
	s7 =	simm.s32 @p2 $0x1082  }
0x22: {  	[simem:s7], [sflag:s8] =	dma.local @!p0 [hbm:s6], $0xF7A  }
0x23: {  	s9 =	sor.u32 $0xD0000000, s2;
	s6 =	simm.s32 $0x108;
	_ =	swait.ge @!p0 [sflag:s8], $0x0  }
0x24: {  	s3 =	sadd.s32 $0x88, s3;
	s6 =	simm.s32 @!p1 $0x1082;
	[sflag:s4] =	ssyncset.s32 $0xFFFFF086  }
0x25: {  	[simem:s6], [sflag:s4] =	dma.local [hbm:s3], $0xF7A  }
0x26: {  	[smem:$0x3F9F] =	sst s1;
	(tag) =	ssettag s2;
	_ =	strace s9  }
0x27: {  	s1 =	sld [smem:$0x3FAF]  }
0x28: {  	s2 =	sld [smem:$0x3FB0]  }
0x29: {  	s4 =	sld [smem:$0x3FB2]  }
0x2a: {  	p0 =	seq.s32 s5, $0x0;
	s5 =	sld [smem:$0x3FB3]  }
0x2b: {  	s6 =	sld [smem:$0x3FB4]  }
0x2c: {  	s7 =	sld [smem:$0x3FB5]  }
0x2d: {  	s3 =	simm.s32 $0x108;
	s8 =	sld [smem:$0x3FB6]  }
0x2e: {  	s3 =	simm.s32 @!p0 $0x1082;
	s9 =	sld [smem:$0x3FB7]  }
0x2f: {  	lr =	sadd.s32 s0, s3;
	s0 =	sld [smem:$0x3FAE]  }
0x30: {  	s3 =	sld [smem:$0x3FB1]  }
0x31: {  	[smem:$0x3FBA] =	sst s10  }
0x32: {  	s10 =	sld [smem:$0x3FB8];
	_ =	sdelay $0x3  }
0x33: {  	p0 =	seq.s32 s10, $0x1;
	s10 =	sld [smem:$0x3FBA];
	_ =	sdelay $0x3  }
0x34: {  	[smem:$0x3FBA] =	sst s10  }
0x35: {  	s10 =	sld [smem:$0x3FB9];
	_ =	sdelay $0x3  }
0x36: {  	p1 =	seq.s32 s10, $0x1;
	s10 =	sld [smem:$0x3FBA];
	_ =	sdelay $0x3  }
0x37: {  	[smem:$0x3FBA] =	sst s10  }
0x38: {  	s10 =	sld [smem:$0x3FBB]  }
0x39: {  	_ = 	snop;
	(pc) =	sbr.ind lr, $3  }
0x3a: {  	_ = 	snop  }
0x3b: {  	_ = 	snop  }
0x3c: {  	p2 =	seq.s32 s10, $0x1;
	s10 =	sld [smem:$0x3FBA]  }
0x3d: {  	_ =	shalt  }
0x3e: {  	_ =	shalt  }
0x3f: {  	_ =	shalt  }
0x40: {  	_ =	shalt  }
0x41: {  	_ =	shalt  }
0x42: {  	_ =	shalt  }
0x43: {  	_ =	shalt  }
0x44: {  	_ =	shalt  }
0x45: {  	_ =	shalt  }
0x46: {  	_ =	shalt  }
0x47: {  	_ =	shalt  }
0x48: {  	_ =	shalt  }
0x49: {  	_ =	shalt  }
0x4a: {  	_ =	shalt  }
0x4b: {  	_ =	shalt  }
0x4c: {  	_ =	shalt  }
0x4d: {  	_ =	shalt  }
0x4e: {  	_ =	shalt  }
0x4f: {  	_ =	shalt  }
0x50: {  	_ =	shalt  }
0x51: {  	_ =	shalt  }
0x52: {  	_ =	shalt  }
0x53: {  	_ =	shalt  }
0x54: {  	_ =	shalt  }
0x55: {  	_ =	shalt  }
0x56: {  	_ =	shalt  }
0x57: {  	_ =	shalt  }
0x58: {  	_ =	shalt  }
0x59: {  	_ =	shalt  }
0x5a: {  	_ =	shalt  }
0x5b: {  	_ =	shalt  }
0x5c: {  	_ =	shalt  }
0x5d: {  	_ =	shalt  }
0x5e: {  	_ =	shalt  }
0x5f: {  	_ =	shalt  }
0x60: {  	_ =	shalt  }
0x61: {  	_ =	shalt  }
0x62: {  	_ =	shalt  }
0x63: {  	_ =	shalt  }
0x64: {  	_ =	shalt  }
0x65: {  	_ =	shalt  }
0x66: {  	_ =	shalt  }
0x67: {  	_ =	shalt  }
0x68: {  	_ =	shalt  }
0x69: {  	_ =	shalt  }
0x6a: {  	_ =	shalt  }
0x6b: {  	_ =	shalt  }
0x6c: {  	_ =	shalt  }
0x6d: {  	_ =	shalt  }
0x6e: {  	_ =	shalt  }
0x6f: {  	_ =	shalt  }
0x70: {  	_ =	shalt  }
0x71: {  	_ =	shalt  }
0x72: {  	_ =	shalt  }
0x73: {  	_ =	shalt  }
0x74: {  	_ =	shalt  }
0x75: {  	_ =	shalt  }
0x76: {  	_ =	shalt  }
0x77: {  	_ =	shalt  }
0x78: {  	_ =	shalt  }
0x79: {  	_ =	shalt  }
0x7a: {  	_ =	shalt  }
0x7b: {  	_ =	shalt  }
0x7c: {  	_ =	shalt  }
0x7d: {  	_ =	shalt  }
0x7e: {  	_ =	shalt  }
0x7f: {  	_ =	shalt  }
0x80: {  	_ =	shalt  }
0x81: {  	_ =	shalt  }
0x82: {  	_ =	shalt  }
0x83: {  	_ =	shalt  }
0x84: {  	_ =	shalt  }
0x85: {  	_ =	shalt  }
0x86: {  	_ =	shalt  }
0x87: {  	_ =	shalt  }
.Lfunc_end0:
.L_simem_size_0:
called_computation_lowered:
.L_overlay_start_0:
0x88: {  	s2 =	sld [smem:$0x3FD9]  }
0x89: {  	s3 =	sld [smem:$0x3FFE];
	_ =	sdelay $0x1  }
0x8a: {  	s1 =	srdreg.scid  }
0x8b: {  	s0 =	sand.u32 $0x1, s1  }
0x8c: {  	s17 =	sshll.u32 s0, $0xA;
	s2 =	sadd.s32 s3, s2  }
0x8d: {  	s2 =	sadd.s32 s2, s17  }
0x8e: {  	[smem:$0x3FC6] =	sst s2  }
0x8f: {  	_ = 	snop  }
0x90: {  	s2 =	sld [smem:$0x3FD0];
	(tm) =	ssettm $0x1  }
0x91: {  	s18 =	sld [smem:$0x3FFB];
	_ =	sdelay $0x3  }
0x92: {  	_ =	strace s18  }
0x93: {  	s3 =	sld [smem:$0x3FFC];
	_ =	sdelay $0x3  }
0x94: {  	_ =	strace s3  }
0x95: {  	s3 =	sld [smem:$0x3FFD];
	_ =	sdelay $0x3  }
0x96: {  	_ =	strace s3  }
0x97: {  	_ =	strace $0x8FFFFFFF  }
0x98: {  	s19 =	sld [smem:$0x3FDB];
	_ =	sdelay $0x1  }
0x99: {  	s4 =	simm.s32 $_scs_section_size  }
0x9a: {  	s5 =	simm.s32 $_size__tile_overlayer_lowered;
	s6 =	simm.s32 $_tile_overlayer_lowered  }
0x9b: {  	s22 =	simm.s32 $0x1BFF;
	s21 =	sshll.u32 s6, $0x1;
	s3 =	sadd.s32 s4, s19  }
0x9c: {  	s7 =	simm.s32 $0x0;
	s20 =	sshll.u32 s5, $0x1;
	s5 =	sadd.s32 s21, s3  }
0x9d: {  	[timem:s7], [sflag:s22] =	dma.local [hbm:s5], s20  }
0x9e: {  	_ =	swait.ge [sflag:s22], s20  }
0x9f: {  	s4 =	ssub.s32 $0x0, s20;
	[sflag:s22] =	ssyncset.done $0x0  }
0xa0: {  	[sflag:s22] =	ssyncadd.s32 s4;
	_ =	sdelay $0x1  }
0xa1: {  	s23 =	simm.s32 $0x1B8B  }
0xa2: {  	_ =	swait.ge [sflag:s23], $0x1  }
0xa3: {  	[sflag:s23] =	ssyncset.done $0x0  }
0xa4: {  	s25 =	simm.s32 $0x1B8E;
	s24 =	sld [smem:$0x3FFE];
	[sflag:s23] =	ssyncadd.s32 $0xFFFFFFFF  }
0xa5: {  	s26 =	simm.s32 $execute0_lowered;
	[smem:$0x3FD2] =	sst s25  }
0xa6: {  	s5 =	sshll.u32 s26, $0x1;
	_ =	strace $0x80000046;
	[dreg:$0x1] =	wrdreg $0xFFFFFFFF  }
0xa7: {  	s28 =	simm.s32 $_size_execute0_lowered;
	s3 =	sadd.s32 s3, s5;
	[dreg:$0x0] =	wrdreg $0x0  }
0xa8: {  	s5 =	sshll.u32 s28, $0x1;
	[dreg:$0x2] =	wrdreg s3  }
0xa9: {  	[dreg:$0x3] =	wrdreg s5  }
0xaa: {  	[dreg:$0x4] =	wrdreg $0xC0  }
0xab: {  	_ =	task [dreg:s7], $0x5FFFF  }
0xac: {  	[dreg:$0x1] =	wrdreg $0xFFFFFFFF  }
0xad: {  	[dreg:$0x0] =	wrdreg $0x60  }
0xae: {  	[dreg:$0x2] =	wrdreg s24  }
0xaf: {  	[dreg:$0x3] =	wrdreg s2  }
0xb0: {  	[dreg:$0x4] =	wrdreg $0x9  }
0xb1: {  	_ =	task.clear_ibuf [dreg:s7], $0x5FFFF;
	_ =	strace $0x90000046  }
0xb2: {  	s29 =	simm.s32 $0x9;
	_ =	strace $0x80000048  }
0xb3: {  	_ =	swait.ge [sflag:s29], $0x1  }
0xb4: {  	[sflag:s29] =	ssyncadd.s32 $0xFFFFFFFF  }
0xb5: {  	_ =	strace $0x90000048  }
0xb6: {  	_ =	sfence  }
0xb7: {  	s30 =	sld [smem:$0x0];
	_ =	sdelay $0x2  }
0xb8: {  	s31 =	sshll.u32 s1, $0xD;
	s1 =	sshrl.u32 s1, $0x2  }
0xb9: {  	s3 =	sand.u32 $0x4000, s31;
	s1 =	sadd.s32 s1, s30  }
0xba: {  	s0 =	sor.u32 s3, s0;
	s1 =	sshll.u32 s1, $0x11  }
0xbb: {  	s0 =	sor.u32 s1, s0  }
0xbc: {  	s0 =	sadd.s32 $0x8F2B, s0  }
0xbd: {  	[sflag:s0] =	ssyncadd.remote.s32 $0x1  }
0xbe: {  	_ =	sfence.sel $0xFFFF  }
0xbf: {  	[dreg:$0x0] =	wrdreg $0xFFFFFFFF;
	(pc) =	sbr.abs _section_cstart, $3  }
0xc0: {  	[dreg:$0x1] =	wrdreg $0xFFFFFFFF  }
0xc1: {  	_ =	task.clear_ibuf [dreg:s7], $0x2FFFF;
	_ =	strace $0x9FFFFFFF  }
0xc2: {  	(tm) =	ssettm $0x7FFFFFFF  }
0xc3: {  	_ =	shalt  }
tec
execute0_lowered:
.L_overlay_start_1:
0x0: {  	(tag) =	ssettag $0x1  }
0x1: {  	s4 =	rddreg [dreg:$0x0]  }
0x2: {  	s0 =	srdreg.scid;
	s5 =	rddreg [dreg:$0x1]  }
0x3: {  	s2 =	simm.s32 $0x0;
	s9 =	simm.s32 $0x1900;
	s10 =	simm.s32 $0x4B00  }
0x4: {  	s11 =	simm.s32 $0x190;
	s12 =	simm.s32 $0x7D00;
	s13 =	simm.s32 $0x258  }
0x5: {  	s14 =	simm.s32 $0xAF00;
	s15 =	simm.s32 $0x1;
	s16 =	simm.s32 $0x2  }
0x6: {  	s17 =	simm.s32 $0x3;
	s18 =	simm.s32 $0x4;
	s19 =	simm.s32 $0xE100  }
0x7: {  	s20 =	simm.s32 $0x0;
	s3 =	sand.u32 $0x1, s0;
	s0 =	stileid.u32  }
0x8: {  	[smem:$0x7FF] =	sst s2;
	s1 =	sshll.u32 s3, $0x4;
	s8 =	ssub.s32 $0x2, s3  }
.Ltmp0:
0x9: {  	s3 =	sadd.s32 $0x187000, s4;
	s6 =	sor.u32 s0, s1;
	(pc) =	sbr.rel .LBB2_1-.Ltmp0, $4  }
0xa: {  	s1 =	rddreg [dreg:$0x2];
	s31 =	sshrl.u32 s8, $0x1;
	s7 =	smul.u32 $0x320, s6  }
0xb: {  	_ =	strace $0x80000047;
	s6 =	sshll.u32 s6, $0xA;
	s8 =	ssub.s32 s8, s31  }
0xc: {  	s5 =	sadd.s32 s5, s6;
	s6 =	smax.u32 s8, $0x1;
	s7 =	sadd.s32 s7, s4  }
0xd: {  	s8 =	simm.s32 $0xC8;
	s4 =	sadd.s32 $0x600, s7;
	s7 =	simm.s32 $0x5  }
.LBB2_12:
0xe: {  	s20 =	sadd.s32 $0x1, s20  }
0xf: {  	p0 =	sne.s32 s20, s6  }
.Ltmp1:
0x10: {  	_ = 	snop;
	(pc) =	sbr.rel @!p0 .LBB2_13-.Ltmp1, $4  }
0x11: {  	[hbm4b:s5+s2] =	stream.linear.scatter [tilespmem:s19], [sflag:$0x5], $0x2000, $0x38;
	[tilespmem:$0x10100] =	vst v63  }
0x12: {  	_ =	swait.ge [sflag:s7], $0x2000  }
0x13: {  	[sflag:s7] =	ssyncset.done $0x0  }
0x14: {  	[sflag:s7] =	ssyncadd.s32 $0xFFFFE000  }
.LBB2_1:
0x15: {  	[tilespmem:s2], [sflag:$0x5] =	stream.linear.gather [hbm4b:s4+s2], $0x1900, $0x38;
	[tilespmem:$0x10100] =	vst v63  }
0x16: {  	_ =	swait.ge [sflag:s7], $0x1900  }
0x17: {  	[sflag:s7] =	ssyncset.done $0x0  }
0x18: {  	[sflag:s7] =	ssyncadd.s32 $0xFFFFE700  }
0x19: {  	[tilespmem:s9], [sflag:$0x1] =	stream.indirect.gather [hbm4b:s3+s8], $0x40, s2, s8, $0xb8;
	[tilespmem:$0x10100] =	vst v63  }
0x1a: {  	_ = 	snop  }
0x1b: {  	[tilespmem:s10], [sflag:$0x2] =	stream.indirect.gather [hbm4b:s3+s8], $0x40, s8, s8, $0xb8;
	[tilespmem:$0x10100] =	vst v63  }
0x1c: {  	_ = 	snop  }
0x1d: {  	[tilespmem:s12], [sflag:$0x3] =	stream.indirect.gather [hbm4b:s3+s8], $0x40, s11, s8, $0xb8;
	[tilespmem:$0x10100] =	vst v63  }
0x1e: {  	s21 =	simm.s32 $0x0  }
0x1f: {  	[tilespmem:s14], [sflag:$0x4] =	stream.indirect.gather [hbm4b:s3+s8], $0x40, s13, s8, $0xb8;
	[tilespmem:$0x10100] =	vst v63  }
.LBB2_2:
0x20: {  	_ =	swait.ge [sflag:s15], $0x3200  }
0x21: {  	[sflag:s15] =	ssyncset.done $0x0  }
0x22: {  	s24 =	simm.s32 $0xFFFFF380;
	[sflag:s15] =	ssyncadd.s32 $0xFFFFCE00  }
0x23: {  	v0 =	vld [tilespmem:s24+$0x4B30]  }
0x24: {  	v2 =	vld [tilespmem:s24+$0x2580]  }
0x25: {  	v3 =	vld [tilespmem:s24+$0x2590]  }
0x26: {  	v4 =	vld [tilespmem:s24+$0x25A0]  }
0x27: {  	v5 =	vld [tilespmem:s24+$0x25B0]  }
0x28: {  	v6 =	vld [tilespmem:s24+$0x3200]  }
0x29: {  	v7 =	vld [tilespmem:s24+$0x3210]  }
0x2a: {  	v8 =	vld [tilespmem:s24+$0x3220]  }
0x2b: {  	v16 =	vld [tilespmem:s24+$0x3230]  }
0x2c: {  	v1 =	vimm.f32 $0.0e+00;
	v17 =	vld [tilespmem:s24+$0x3E80]  }
0x2d: {  	v21 =	vld [tilespmem:s24+$0x3E90];
	v0 =	vadd.f32 v0, v1  }
0x2e: {  	v15 =	vadd.f32 v2, v1;
	v14 =	vadd.f32 v3, v1  }
0x2f: {  	v20 =	vld [tilespmem:s24+$0x3EA0];
	v13 =	vadd.f32 v4, v1;
	v12 =	vadd.f32 v5, v1  }
0x30: {  	v19 =	vld [tilespmem:s24+$0x3EB0];
	v11 =	vadd.f32 v6, v1;
	v10 =	vadd.f32 v7, v1  }
0x31: {  	v18 =	vld [tilespmem:s24+$0x4B00];
	v9 =	vadd.f32 v8, v1;
	v8 =	vadd.f32 v16, v1  }
0x32: {  	v7 =	vadd.f32 v17, v1;
	v16 =	vld [tilespmem:s24+$0x4B10];
	v4 =	vadd.f32 v21, v1;
	v5 =	vimm.f32 $0.0e+00  }
0x33: {  	s22 =	simm.s32 $0xFFFFF3C0;
	s23 =	simm.s32 $0xFFFFD000;
	v17 =	vld [tilespmem:s24+$0x4B20];
	v6 =	vimm.f32 $0.0e+00;
	v3 =	vimm.f32 $0.0e+00;
	v2 =	vimm.f32 $0.0e+00  }
.LBB2_3:
0x34: {  	p0 =	sne.s32 s23, $0xFFFFFF00;
	v21 =	vld [tilespmem:s22+$0x4B30];
	v1 =	vadd.f32 v20, v1  }
0x35: {  	v20 =	vld [tilespmem:s22+$0x2580];
	v5 =	vadd.f32 v19, v5  }
0x36: {  	v19 =	vld [tilespmem:s22+$0x2590];
	v6 =	vadd.f32 v18, v6  }
0x37: {  	v18 =	vld [tilespmem:s22+$0x25A0];
	v3 =	vadd.f32 v16, v3  }
0x38: {  	v16 =	vld [tilespmem:s22+$0x25B0];
	v2 =	vadd.f32 v17, v2  }
0x39: {  	v17 =	vld [tilespmem:s22+$0x3200];
	v0 =	vadd.f32 v21, v0  }
0x3a: {  	v15 =	vadd.f32 v20, v15;
	v20 =	vld [tilespmem:s22+$0x3210]  }
0x3b: {  	v14 =	vadd.f32 v19, v14;
	v19 =	vld [tilespmem:s22+$0x3220]  }
0x3c: {  	v13 =	vadd.f32 v18, v13;
	v18 =	vld [tilespmem:s22+$0x3230]  }
0x3d: {  	v12 =	vadd.f32 v16, v12;
	v16 =	vld [tilespmem:s22+$0x3E80]  }
0x3e: {  	v11 =	vadd.f32 v17, v11;
	v17 =	vld [tilespmem:s22+$0x3E90]  }
.Ltmp2:
0x3f: {  	v10 =	vadd.f32 v20, v10;
	v20 =	vld [tilespmem:s22+$0x3EA0];
	(pc) =	sbr.rel @p0 .LBB2_3-.Ltmp2, $4  }
0x40: {  	v9 =	vadd.f32 v19, v9;
	v19 =	vld [tilespmem:s22+$0x3EB0]  }
0x41: {  	v8 =	vadd.f32 v18, v8;
	v18 =	vld [tilespmem:s22+$0x4B00]  }
0x42: {  	v7 =	vadd.f32 v16, v7;
	v16 =	vld [tilespmem:s22+$0x4B10]  }
0x43: {  	v4 =	vadd.f32 v17, v4;
	v17 =	vld [tilespmem:s22+$0x4B20];
	s22 =	sshra.s32 s23, $0x2;
	s23 =	sadd.s32 $0x100, s23  }
0x44: {  	v21 =	vld [tilespmem:s22+$0x4B30]  }
0x45: {  	v22 =	vld [tilespmem:s22+$0x2580]  }
0x46: {  	v23 =	vld [tilespmem:s22+$0x2590]  }
0x47: {  	v24 =	vld [tilespmem:s22+$0x25A0]  }
0x48: {  	v25 =	vld [tilespmem:s22+$0x25B0]  }
0x49: {  	v26 =	vld [tilespmem:s22+$0x3200]  }
0x4a: {  	v27 =	vld [tilespmem:s22+$0x3210]  }
0x4b: {  	v28 =	vld [tilespmem:s22+$0x3220]  }
0x4c: {  	v29 =	vld [tilespmem:s22+$0x3230]  }
0x4d: {  	v30 =	vld [tilespmem:s22+$0x3E80]  }
0x4e: {  	v31 =	vld [tilespmem:s22+$0x3E90]  }
0x4f: {  	v32 =	vld [tilespmem:s22+$0x3EA0]  }
0x50: {  	v62 =	vld [tilespmem:s22+$0x4B10];
	v15 =	vadd.f32 v22, v15  }
0x51: {  	v63 =	vld [tilespmem:s22+$0x4B20];
	v14 =	vadd.f32 v23, v14  }
0x52: {  	s23 =	sshll.u32 s21, $0xC;
	v22 =	vld [tilespmem:s22+$0x3EB0];
	v13 =	vadd.f32 v24, v13;
	v15 =	vmul.f32 $2.441406250e-04, v15  }
0x53: {  	v23 =	vld [tilespmem:s22+$0x4B00];
	v12 =	vadd.f32 v25, v12;
	s22 =	sshra.s32 s23, $0x2;
	v14 =	vmul.f32 $2.441406250e-04, v14  }
0x54: {  	v11 =	vadd.f32 v26, v11;
	v13 =	vmul.f32 $2.441406250e-04, v13;
	[tilespmem:s22+$0xE100] =	vst v15  }
0x55: {  	v10 =	vadd.f32 v27, v10;
	v12 =	vmul.f32 $2.441406250e-04, v12;
	[tilespmem:s22+$0xE110] =	vst v14  }
0x56: {  	v9 =	vadd.f32 v28, v9;
	v11 =	vmul.f32 $2.441406250e-04, v11;
	[tilespmem:s22+$0xE120] =	vst v13  }
0x57: {  	v8 =	vadd.f32 v29, v8;
	v10 =	vmul.f32 $2.441406250e-04, v10;
	[tilespmem:s22+$0xE130] =	vst v12  }
0x58: {  	v1 =	vadd.f32 v20, v1;
	v7 =	vadd.f32 v30, v7;
	v9 =	vmul.f32 $2.441406250e-04, v9;
	[tilespmem:s22+$0xE140] =	vst v11  }
0x59: {  	v3 =	vadd.f32 v16, v3;
	v4 =	vadd.f32 v31, v4;
	v8 =	vmul.f32 $2.441406250e-04, v8;
	[tilespmem:s22+$0xE150] =	vst v10  }
0x5a: {  	v1 =	vadd.f32 v32, v1;
	v7 =	vmul.f32 $2.441406250e-04, v7;
	[tilespmem:s22+$0xE160] =	vst v9  }
0x5b: {  	v6 =	vadd.f32 v18, v6;
	v3 =	vadd.f32 v62, v3;
	v4 =	vmul.f32 $2.441406250e-04, v4;
	[tilespmem:s22+$0xE170] =	vst v8  }
0x5c: {  	v5 =	vadd.f32 v19, v5;
	v0 =	vadd.f32 v21, v0;
	v1 =	vmul.f32 $2.441406250e-04, v1;
	[tilespmem:s22+$0xE180] =	vst v7  }
0x5d: {  	v2 =	vadd.f32 v17, v2;
	v3 =	vmul.f32 $2.441406250e-04, v3;
	[tilespmem:s22+$0xE190] =	vst v4;
	v6 =	vadd.f32 v23, v6  }
0x5e: {  	v0 =	vmul.f32 $2.441406250e-04, v0;
	[tilespmem:s22+$0xE1A0] =	vst v1;
	v5 =	vadd.f32 v22, v5  }
0x5f: {  	p0 =	seq.s32 s21, $0x7;
	v2 =	vadd.f32 v63, v2;
	[tilespmem:s22+$0xE1D0] =	vst v3;
	v1 =	vmul.f32 $2.441406250e-04, v6  }
0x60: {  	s23 =	smul.u32 @!p0 $0xC80, s21;
	[tilespmem:s22+$0xE1F0] =	vst v0;
	v4 =	vmul.f32 $2.441406250e-04, v5  }
0x61: {  	[tilespmem:s22+$0xE1C0] =	vst v1;
	v1 =	vmul.f32 $2.441406250e-04, v2  }
0x62: {  	s23 =	sshra.s32 @!p0 s23, $0x2;
	[tilespmem:s22+$0xE1B0] =	vst v4  }
0x63: {  	s25 =	simm.s32 @!p0 $0xC8;
	s26 =	simm.s32 @!p0 $0x1900;
	s24 =	sadd.s32 @!p0 $0x320, s23;
	[tilespmem:s22+$0xE1E0] =	vst v1  }
0x64: {  	[tilespmem:s26], [sflag:$0x1] =	stream.indirect.gather @!p0 [hbm4b:s3+s25], $0x40, s24, s25, $0xb8;
	[tilespmem:$0x10100] =	vst v63  }
0x65: {  	_ =	swait.ge [sflag:s16], $0x3200  }
0x66: {  	[sflag:s16] =	ssyncset.done $0x0  }
0x67: {  	s31 =	simm.s32 $0x0;
	[sflag:s16] =	ssyncadd.s32 $0xFFFFCE00  }
0x68: {  	v0 =	vld [tilespmem:s31+$0x70B0]  }
0x69: {  	v2 =	vld [tilespmem:s31+$0x4B00]  }
0x6a: {  	v3 =	vld [tilespmem:s31+$0x4B10]  }
0x6b: {  	v4 =	vld [tilespmem:s31+$0x4B20]  }
0x6c: {  	v5 =	vld [tilespmem:s31+$0x4B30]  }
0x6d: {  	v6 =	vld [tilespmem:s31+$0x5780]  }
0x6e: {  	v7 =	vld [tilespmem:s31+$0x5790]  }
0x6f: {  	v8 =	vld [tilespmem:s31+$0x57A0]  }
0x70: {  	v16 =	vld [tilespmem:s31+$0x57B0]  }
0x71: {  	v1 =	vimm.f32 $0.0e+00;
	v17 =	vld [tilespmem:s31+$0x6400]  }
0x72: {  	v21 =	vld [tilespmem:s31+$0x6410];
	v0 =	vadd.f32 v0, v1  }
0x73: {  	v15 =	vadd.f32 v2, v1;
	v14 =	vadd.f32 v3, v1  }
0x74: {  	v20 =	vld [tilespmem:s31+$0x6420];
	v13 =	vadd.f32 v4, v1;
	v12 =	vadd.f32 v5, v1  }
0x75: {  	v19 =	vld [tilespmem:s31+$0x6430];
	v11 =	vadd.f32 v6, v1;
	v10 =	vadd.f32 v7, v1  }
0x76: {  	v18 =	vld [tilespmem:s31+$0x7080];
	v9 =	vadd.f32 v8, v1;
	v8 =	vadd.f32 v16, v1  }
0x77: {  	v7 =	vadd.f32 v17, v1;
	v16 =	vld [tilespmem:s31+$0x7090];
	v4 =	vadd.f32 v21, v1;
	v5 =	vimm.f32 $0.0e+00  }
0x78: {  	s24 =	simm.s32 $0x40;
	s25 =	simm.s32 $0x200;
	v17 =	vld [tilespmem:s31+$0x70A0];
	v6 =	vimm.f32 $0.0e+00;
	v3 =	vimm.f32 $0.0e+00;
	v2 =	vimm.f32 $0.0e+00  }
.LBB2_5:
0x79: {  	p1 =	sne.s32 s25, $0x3100;
	v21 =	vld [tilespmem:s24+$0x70B0];
	v1 =	vadd.f32 v20, v1  }
0x7a: {  	v20 =	vld [tilespmem:s24+$0x4B00];
	v5 =	vadd.f32 v19, v5  }
0x7b: {  	v19 =	vld [tilespmem:s24+$0x4B10];
	v6 =	vadd.f32 v18, v6  }
0x7c: {  	v18 =	vld [tilespmem:s24+$0x4B20];
	v3 =	vadd.f32 v16, v3  }
0x7d: {  	v16 =	vld [tilespmem:s24+$0x4B30];
	v2 =	vadd.f32 v17, v2  }
0x7e: {  	v17 =	vld [tilespmem:s24+$0x5780];
	v0 =	vadd.f32 v21, v0  }
0x7f: {  	v15 =	vadd.f32 v20, v15;
	v20 =	vld [tilespmem:s24+$0x5790]  }
0x80: {  	v14 =	vadd.f32 v19, v14;
	v19 =	vld [tilespmem:s24+$0x57A0]  }
0x81: {  	v13 =	vadd.f32 v18, v13;
	v18 =	vld [tilespmem:s24+$0x57B0]  }
0x82: {  	v12 =	vadd.f32 v16, v12;
	v16 =	vld [tilespmem:s24+$0x6400]  }
0x83: {  	v11 =	vadd.f32 v17, v11;
	v17 =	vld [tilespmem:s24+$0x6410]  }
.Ltmp3:
0x84: {  	v10 =	vadd.f32 v20, v10;
	v20 =	vld [tilespmem:s24+$0x6420];
	(pc) =	sbr.rel @p1 .LBB2_5-.Ltmp3, $4  }
0x85: {  	v9 =	vadd.f32 v19, v9;
	v19 =	vld [tilespmem:s24+$0x6430]  }
0x86: {  	v8 =	vadd.f32 v18, v8;
	v18 =	vld [tilespmem:s24+$0x7080]  }
0x87: {  	v7 =	vadd.f32 v16, v7;
	v16 =	vld [tilespmem:s24+$0x7090]  }
0x88: {  	v4 =	vadd.f32 v17, v4;
	v17 =	vld [tilespmem:s24+$0x70A0];
	s24 =	sshra.s32 s25, $0x2;
	s25 =	sadd.s32 $0x100, s25  }
0x89: {  	v21 =	vld [tilespmem:s24+$0x70B0]  }
0x8a: {  	v22 =	vld [tilespmem:s24+$0x4B00]  }
0x8b: {  	v23 =	vld [tilespmem:s24+$0x4B10]  }
0x8c: {  	v24 =	vld [tilespmem:s24+$0x4B20]  }
0x8d: {  	v25 =	vld [tilespmem:s24+$0x4B30]  }
0x8e: {  	v26 =	vld [tilespmem:s24+$0x5780]  }
0x8f: {  	v27 =	vld [tilespmem:s24+$0x5790]  }
0x90: {  	v28 =	vld [tilespmem:s24+$0x57A0]  }
0x91: {  	v29 =	vld [tilespmem:s24+$0x57B0]  }
0x92: {  	v30 =	vld [tilespmem:s24+$0x6400]  }
0x93: {  	v31 =	vld [tilespmem:s24+$0x6410]  }
0x94: {  	v32 =	vld [tilespmem:s24+$0x6420];
	v15 =	vadd.f32 v22, v15  }
0x95: {  	v62 =	vld [tilespmem:s24+$0x7090];
	v14 =	vadd.f32 v23, v14  }
0x96: {  	v63 =	vld [tilespmem:s24+$0x70A0];
	v13 =	vadd.f32 v24, v13;
	v15 =	vmul.f32 $2.441406250e-04, v15  }
0x97: {  	v22 =	vld [tilespmem:s24+$0x6430];
	v12 =	vadd.f32 v25, v12;
	v14 =	vmul.f32 $2.441406250e-04, v14  }
0x98: {  	v23 =	vld [tilespmem:s24+$0x7080];
	v11 =	vadd.f32 v26, v11;
	v13 =	vmul.f32 $2.441406250e-04, v13;
	[tilespmem:s22+$0xE200] =	vst v15  }
0x99: {  	v10 =	vadd.f32 v27, v10;
	v12 =	vmul.f32 $2.441406250e-04, v12;
	[tilespmem:s22+$0xE210] =	vst v14  }
0x9a: {  	v9 =	vadd.f32 v28, v9;
	v11 =	vmul.f32 $2.441406250e-04, v11;
	[tilespmem:s22+$0xE220] =	vst v13  }
0x9b: {  	v8 =	vadd.f32 v29, v8;
	v10 =	vmul.f32 $2.441406250e-04, v10;
	[tilespmem:s22+$0xE230] =	vst v12  }
0x9c: {  	v1 =	vadd.f32 v20, v1;
	v7 =	vadd.f32 v30, v7;
	v9 =	vmul.f32 $2.441406250e-04, v9;
	[tilespmem:s22+$0xE240] =	vst v11  }
0x9d: {  	v3 =	vadd.f32 v16, v3;
	v4 =	vadd.f32 v31, v4;
	v8 =	vmul.f32 $2.441406250e-04, v8;
	[tilespmem:s22+$0xE250] =	vst v10  }
0x9e: {  	v1 =	vadd.f32 v32, v1;
	v7 =	vmul.f32 $2.441406250e-04, v7;
	[tilespmem:s22+$0xE260] =	vst v9  }
0x9f: {  	v6 =	vadd.f32 v18, v6;
	v3 =	vadd.f32 v62, v3;
	v4 =	vmul.f32 $2.441406250e-04, v4;
	[tilespmem:s22+$0xE270] =	vst v8  }
0xa0: {  	v5 =	vadd.f32 v19, v5;
	v0 =	vadd.f32 v21, v0;
	v1 =	vmul.f32 $2.441406250e-04, v1;
	[tilespmem:s22+$0xE280] =	vst v7  }
0xa1: {  	v2 =	vadd.f32 v17, v2;
	v3 =	vmul.f32 $2.441406250e-04, v3;
	[tilespmem:s22+$0xE290] =	vst v4;
	v6 =	vadd.f32 v23, v6  }
0xa2: {  	v0 =	vmul.f32 $2.441406250e-04, v0;
	[tilespmem:s22+$0xE2A0] =	vst v1;
	v5 =	vadd.f32 v22, v5  }
0xa3: {  	v2 =	vadd.f32 v63, v2;
	[tilespmem:s22+$0xE2D0] =	vst v3;
	v1 =	vmul.f32 $2.441406250e-04, v6  }
0xa4: {  	[tilespmem:s22+$0xE2F0] =	vst v0;
	v4 =	vmul.f32 $2.441406250e-04, v5  }
0xa5: {  	[tilespmem:s22+$0xE2C0] =	vst v1;
	v1 =	vmul.f32 $2.441406250e-04, v2  }
0xa6: {  	[tilespmem:s22+$0xE2B0] =	vst v4  }
0xa7: {  	s25 =	simm.s32 @!p0 $0xC8;
	s26 =	simm.s32 @!p0 $0x4B00;
	s24 =	sadd.s32 @!p0 $0x3E8, s23;
	[tilespmem:s22+$0xE2E0] =	vst v1  }
0xa8: {  	[tilespmem:s26], [sflag:$0x2] =	stream.indirect.gather @!p0 [hbm4b:s3+s25], $0x40, s24, s25, $0xb8;
	[tilespmem:$0x10100] =	vst v63  }
0xa9: {  	_ =	swait.ge [sflag:s17], $0x3200  }
0xaa: {  	[sflag:s17] =	ssyncset.done $0x0  }
0xab: {  	s31 =	simm.s32 $0x0;
	[sflag:s17] =	ssyncadd.s32 $0xFFFFCE00  }
0xac: {  	v0 =	vld [tilespmem:s31+$0xA2B0]  }
0xad: {  	v2 =	vld [tilespmem:s31+$0x7D00]  }
0xae: {  	v3 =	vld [tilespmem:s31+$0x7D10]  }
0xaf: {  	v4 =	vld [tilespmem:s31+$0x7D20]  }
0xb0: {  	v5 =	vld [tilespmem:s31+$0x7D30]  }
0xb1: {  	v6 =	vld [tilespmem:s31+$0x8980]  }
0xb2: {  	v7 =	vld [tilespmem:s31+$0x8990]  }
0xb3: {  	v8 =	vld [tilespmem:s31+$0x89A0]  }
0xb4: {  	v16 =	vld [tilespmem:s31+$0x89B0]  }
0xb5: {  	v1 =	vimm.f32 $0.0e+00;
	v17 =	vld [tilespmem:s31+$0x9600]  }
0xb6: {  	v21 =	vld [tilespmem:s31+$0x9610];
	v0 =	vadd.f32 v0, v1  }
0xb7: {  	v15 =	vadd.f32 v2, v1;
	v14 =	vadd.f32 v3, v1  }
0xb8: {  	v20 =	vld [tilespmem:s31+$0x9620];
	v13 =	vadd.f32 v4, v1;
	v12 =	vadd.f32 v5, v1  }
0xb9: {  	v19 =	vld [tilespmem:s31+$0x9630];
	v11 =	vadd.f32 v6, v1;
	v10 =	vadd.f32 v7, v1  }
0xba: {  	v18 =	vld [tilespmem:s31+$0xA280];
	v9 =	vadd.f32 v8, v1;
	v8 =	vadd.f32 v16, v1  }
0xbb: {  	v7 =	vadd.f32 v17, v1;
	v16 =	vld [tilespmem:s31+$0xA290];
	v4 =	vadd.f32 v21, v1;
	v5 =	vimm.f32 $0.0e+00  }
0xbc: {  	s24 =	simm.s32 $0x40;
	s25 =	simm.s32 $0x200;
	v17 =	vld [tilespmem:s31+$0xA2A0];
	v6 =	vimm.f32 $0.0e+00;
	v3 =	vimm.f32 $0.0e+00;
	v2 =	vimm.f32 $0.0e+00  }
.LBB2_7:
0xbd: {  	p1 =	sne.s32 s25, $0x3100;
	v21 =	vld [tilespmem:s24+$0xA2B0];
	v1 =	vadd.f32 v20, v1  }
0xbe: {  	v20 =	vld [tilespmem:s24+$0x7D00];
	v5 =	vadd.f32 v19, v5  }
0xbf: {  	v19 =	vld [tilespmem:s24+$0x7D10];
	v6 =	vadd.f32 v18, v6  }
0xc0: {  	v18 =	vld [tilespmem:s24+$0x7D20];
	v3 =	vadd.f32 v16, v3  }
0xc1: {  	v16 =	vld [tilespmem:s24+$0x7D30];
	v2 =	vadd.f32 v17, v2  }
0xc2: {  	v17 =	vld [tilespmem:s24+$0x8980];
	v0 =	vadd.f32 v21, v0  }
0xc3: {  	v15 =	vadd.f32 v20, v15;
	v20 =	vld [tilespmem:s24+$0x8990]  }
0xc4: {  	v14 =	vadd.f32 v19, v14;
	v19 =	vld [tilespmem:s24+$0x89A0]  }
0xc5: {  	v13 =	vadd.f32 v18, v13;
	v18 =	vld [tilespmem:s24+$0x89B0]  }
0xc6: {  	v12 =	vadd.f32 v16, v12;
	v16 =	vld [tilespmem:s24+$0x9600]  }
0xc7: {  	v11 =	vadd.f32 v17, v11;
	v17 =	vld [tilespmem:s24+$0x9610]  }
.Ltmp4:
0xc8: {  	v10 =	vadd.f32 v20, v10;
	v20 =	vld [tilespmem:s24+$0x9620];
	(pc) =	sbr.rel @p1 .LBB2_7-.Ltmp4, $4  }
0xc9: {  	v9 =	vadd.f32 v19, v9;
	v19 =	vld [tilespmem:s24+$0x9630]  }
0xca: {  	v8 =	vadd.f32 v18, v8;
	v18 =	vld [tilespmem:s24+$0xA280]  }
0xcb: {  	v7 =	vadd.f32 v16, v7;
	v16 =	vld [tilespmem:s24+$0xA290]  }
0xcc: {  	v4 =	vadd.f32 v17, v4;
	v17 =	vld [tilespmem:s24+$0xA2A0];
	s24 =	sshra.s32 s25, $0x2;
	s25 =	sadd.s32 $0x100, s25  }
0xcd: {  	v21 =	vld [tilespmem:s24+$0xA2B0]  }
0xce: {  	v22 =	vld [tilespmem:s24+$0x7D00]  }
0xcf: {  	v23 =	vld [tilespmem:s24+$0x7D10]  }
0xd0: {  	v24 =	vld [tilespmem:s24+$0x7D20]  }
0xd1: {  	v25 =	vld [tilespmem:s24+$0x7D30]  }
0xd2: {  	v26 =	vld [tilespmem:s24+$0x8980]  }
0xd3: {  	v27 =	vld [tilespmem:s24+$0x8990]  }
0xd4: {  	v28 =	vld [tilespmem:s24+$0x89A0]  }
0xd5: {  	v29 =	vld [tilespmem:s24+$0x89B0]  }
0xd6: {  	v30 =	vld [tilespmem:s24+$0x9600]  }
0xd7: {  	v31 =	vld [tilespmem:s24+$0x9610]  }
0xd8: {  	v32 =	vld [tilespmem:s24+$0x9620];
	v15 =	vadd.f32 v22, v15  }
0xd9: {  	v62 =	vld [tilespmem:s24+$0xA290];
	v14 =	vadd.f32 v23, v14  }
0xda: {  	v63 =	vld [tilespmem:s24+$0xA2A0];
	v13 =	vadd.f32 v24, v13;
	v15 =	vmul.f32 $2.441406250e-04, v15  }
0xdb: {  	v22 =	vld [tilespmem:s24+$0x9630];
	v12 =	vadd.f32 v25, v12;
	v14 =	vmul.f32 $2.441406250e-04, v14  }
0xdc: {  	v23 =	vld [tilespmem:s24+$0xA280];
	v11 =	vadd.f32 v26, v11;
	v13 =	vmul.f32 $2.441406250e-04, v13;
	[tilespmem:s22+$0xE300] =	vst v15  }
0xdd: {  	v10 =	vadd.f32 v27, v10;
	v12 =	vmul.f32 $2.441406250e-04, v12;
	[tilespmem:s22+$0xE310] =	vst v14  }
0xde: {  	v9 =	vadd.f32 v28, v9;
	v11 =	vmul.f32 $2.441406250e-04, v11;
	[tilespmem:s22+$0xE320] =	vst v13  }
0xdf: {  	v8 =	vadd.f32 v29, v8;
	v10 =	vmul.f32 $2.441406250e-04, v10;
	[tilespmem:s22+$0xE330] =	vst v12  }
0xe0: {  	v1 =	vadd.f32 v20, v1;
	v7 =	vadd.f32 v30, v7;
	v9 =	vmul.f32 $2.441406250e-04, v9;
	[tilespmem:s22+$0xE340] =	vst v11  }
0xe1: {  	v3 =	vadd.f32 v16, v3;
	v4 =	vadd.f32 v31, v4;
	v8 =	vmul.f32 $2.441406250e-04, v8;
	[tilespmem:s22+$0xE350] =	vst v10  }
0xe2: {  	v1 =	vadd.f32 v32, v1;
	v7 =	vmul.f32 $2.441406250e-04, v7;
	[tilespmem:s22+$0xE360] =	vst v9  }
0xe3: {  	v6 =	vadd.f32 v18, v6;
	v3 =	vadd.f32 v62, v3;
	v4 =	vmul.f32 $2.441406250e-04, v4;
	[tilespmem:s22+$0xE370] =	vst v8  }
0xe4: {  	v5 =	vadd.f32 v19, v5;
	v0 =	vadd.f32 v21, v0;
	v1 =	vmul.f32 $2.441406250e-04, v1;
	[tilespmem:s22+$0xE380] =	vst v7  }
0xe5: {  	v2 =	vadd.f32 v17, v2;
	v3 =	vmul.f32 $2.441406250e-04, v3;
	[tilespmem:s22+$0xE390] =	vst v4;
	v6 =	vadd.f32 v23, v6  }
0xe6: {  	v0 =	vmul.f32 $2.441406250e-04, v0;
	[tilespmem:s22+$0xE3A0] =	vst v1;
	v5 =	vadd.f32 v22, v5  }
0xe7: {  	v2 =	vadd.f32 v63, v2;
	[tilespmem:s22+$0xE3D0] =	vst v3;
	v1 =	vmul.f32 $2.441406250e-04, v6  }
0xe8: {  	[tilespmem:s22+$0xE3F0] =	vst v0;
	v4 =	vmul.f32 $2.441406250e-04, v5  }
0xe9: {  	[tilespmem:s22+$0xE3C0] =	vst v1;
	v1 =	vmul.f32 $2.441406250e-04, v2  }
0xea: {  	[tilespmem:s22+$0xE3B0] =	vst v4  }
0xeb: {  	s23 =	sadd.s32 @!p0 $0x4B0, s23;
	s25 =	simm.s32 @!p0 $0x7D00;
	s24 =	simm.s32 @!p0 $0xC8;
	[tilespmem:s22+$0xE3E0] =	vst v1  }
0xec: {  	[tilespmem:s25], [sflag:$0x3] =	stream.indirect.gather @!p0 [hbm4b:s3+s24], $0x40, s23, s24, $0xb8;
	[tilespmem:$0x10100] =	vst v63  }
0xed: {  	_ =	swait.ge [sflag:s18], $0x3200  }
0xee: {  	[sflag:s18] =	ssyncset.done $0x0  }
0xef: {  	s31 =	simm.s32 $0x0;
	[sflag:s18] =	ssyncadd.s32 $0xFFFFCE00  }
0xf0: {  	v0 =	vld [tilespmem:s31+$0xD4B0]  }
0xf1: {  	v2 =	vld [tilespmem:s31+$0xAF00]  }
0xf2: {  	v3 =	vld [tilespmem:s31+$0xAF10]  }
0xf3: {  	v4 =	vld [tilespmem:s31+$0xAF20]  }
0xf4: {  	v5 =	vld [tilespmem:s31+$0xAF30]  }
0xf5: {  	v6 =	vld [tilespmem:s31+$0xBB80]  }
0xf6: {  	v7 =	vld [tilespmem:s31+$0xBB90]  }
0xf7: {  	v8 =	vld [tilespmem:s31+$0xBBA0]  }
0xf8: {  	v16 =	vld [tilespmem:s31+$0xBBB0]  }
0xf9: {  	v1 =	vimm.f32 $0.0e+00;
	v17 =	vld [tilespmem:s31+$0xC800]  }
0xfa: {  	v21 =	vld [tilespmem:s31+$0xC810];
	v0 =	vadd.f32 v0, v1  }
0xfb: {  	v15 =	vadd.f32 v2, v1;
	v14 =	vadd.f32 v3, v1  }
0xfc: {  	v20 =	vld [tilespmem:s31+$0xC820];
	v13 =	vadd.f32 v4, v1;
	v12 =	vadd.f32 v5, v1  }
0xfd: {  	v19 =	vld [tilespmem:s31+$0xC830];
	v11 =	vadd.f32 v6, v1;
	v10 =	vadd.f32 v7, v1  }
0xfe: {  	v18 =	vld [tilespmem:s31+$0xD480];
	v9 =	vadd.f32 v8, v1;
	v8 =	vadd.f32 v16, v1  }
0xff: {  	v7 =	vadd.f32 v17, v1;
	v16 =	vld [tilespmem:s31+$0xD490];
	v4 =	vadd.f32 v21, v1;
	v5 =	vimm.f32 $0.0e+00  }
0x100: {  	s23 =	simm.s32 $0x40;
	s24 =	simm.s32 $0x200;
	v17 =	vld [tilespmem:s31+$0xD4A0];
	v6 =	vimm.f32 $0.0e+00;
	v3 =	vimm.f32 $0.0e+00;
	v2 =	vimm.f32 $0.0e+00  }
.LBB2_9:
0x101: {  	p1 =	sne.s32 s24, $0x3100;
	v21 =	vld [tilespmem:s23+$0xD4B0];
	v1 =	vadd.f32 v20, v1  }
0x102: {  	v20 =	vld [tilespmem:s23+$0xAF00];
	v5 =	vadd.f32 v19, v5  }
0x103: {  	v19 =	vld [tilespmem:s23+$0xAF10];
	v6 =	vadd.f32 v18, v6  }
0x104: {  	v18 =	vld [tilespmem:s23+$0xAF20];
	v3 =	vadd.f32 v16, v3  }
0x105: {  	v16 =	vld [tilespmem:s23+$0xAF30];
	v2 =	vadd.f32 v17, v2  }
0x106: {  	v17 =	vld [tilespmem:s23+$0xBB80];
	v0 =	vadd.f32 v21, v0  }
0x107: {  	v15 =	vadd.f32 v20, v15;
	v20 =	vld [tilespmem:s23+$0xBB90]  }
0x108: {  	v14 =	vadd.f32 v19, v14;
	v19 =	vld [tilespmem:s23+$0xBBA0]  }
0x109: {  	v13 =	vadd.f32 v18, v13;
	v18 =	vld [tilespmem:s23+$0xBBB0]  }
0x10a: {  	v12 =	vadd.f32 v16, v12;
	v16 =	vld [tilespmem:s23+$0xC800]  }
0x10b: {  	v11 =	vadd.f32 v17, v11;
	v17 =	vld [tilespmem:s23+$0xC810]  }
.Ltmp5:
0x10c: {  	v10 =	vadd.f32 v20, v10;
	v20 =	vld [tilespmem:s23+$0xC820];
	(pc) =	sbr.rel @p1 .LBB2_9-.Ltmp5, $4  }
0x10d: {  	v9 =	vadd.f32 v19, v9;
	v19 =	vld [tilespmem:s23+$0xC830]  }
0x10e: {  	v8 =	vadd.f32 v18, v8;
	v18 =	vld [tilespmem:s23+$0xD480]  }
0x10f: {  	v7 =	vadd.f32 v16, v7;
	v16 =	vld [tilespmem:s23+$0xD490]  }
0x110: {  	v4 =	vadd.f32 v17, v4;
	v17 =	vld [tilespmem:s23+$0xD4A0];
	s23 =	sshra.s32 s24, $0x2;
	s24 =	sadd.s32 $0x100, s24  }
0x111: {  	v21 =	vld [tilespmem:s23+$0xD4B0]  }
0x112: {  	v22 =	vld [tilespmem:s23+$0xAF00]  }
0x113: {  	v23 =	vld [tilespmem:s23+$0xAF10]  }
0x114: {  	v24 =	vld [tilespmem:s23+$0xAF20]  }
0x115: {  	v25 =	vld [tilespmem:s23+$0xAF30]  }
0x116: {  	v26 =	vld [tilespmem:s23+$0xBB80]  }
0x117: {  	v27 =	vld [tilespmem:s23+$0xBB90]  }
0x118: {  	v28 =	vld [tilespmem:s23+$0xBBA0]  }
0x119: {  	v29 =	vld [tilespmem:s23+$0xBBB0]  }
0x11a: {  	v30 =	vld [tilespmem:s23+$0xC800]  }
0x11b: {  	v31 =	vld [tilespmem:s23+$0xC810]  }
0x11c: {  	v32 =	vld [tilespmem:s23+$0xC820];
	v15 =	vadd.f32 v22, v15  }
0x11d: {  	v57 =	vld [tilespmem:s23+$0xC830];
	v14 =	vadd.f32 v23, v14  }
0x11e: {  	v58 =	vld [tilespmem:s23+$0xD480];
	v13 =	vadd.f32 v24, v13;
	v15 =	vmul.f32 $2.441406250e-04, v15  }
0x11f: {  	v59 =	vld [tilespmem:s23+$0xD490];
	v12 =	vadd.f32 v25, v12;
	v14 =	vmul.f32 $2.441406250e-04, v14  }
0x120: {  	v60 =	vld [tilespmem:s23+$0xD4A0];
	v11 =	vadd.f32 v26, v11;
	v13 =	vmul.f32 $2.441406250e-04, v13;
	[tilespmem:s22+$0xE400] =	vst v15  }
0x121: {  	v10 =	vadd.f32 v27, v10;
	v12 =	vmul.f32 $2.441406250e-04, v12;
	[tilespmem:s22+$0xE410] =	vst v14  }
0x122: {  	v9 =	vadd.f32 v28, v9;
	v11 =	vmul.f32 $2.441406250e-04, v11;
	[tilespmem:s22+$0xE420] =	vst v13  }
0x123: {  	v8 =	vadd.f32 v29, v8;
	v10 =	vmul.f32 $2.441406250e-04, v10;
	[tilespmem:s22+$0xE430] =	vst v12  }
0x124: {  	v1 =	vadd.f32 v20, v1;
	v7 =	vadd.f32 v30, v7;
	v9 =	vmul.f32 $2.441406250e-04, v9;
	[tilespmem:s22+$0xE440] =	vst v11  }
0x125: {  	v5 =	vadd.f32 v19, v5;
	v4 =	vadd.f32 v31, v4;
	v8 =	vmul.f32 $2.441406250e-04, v8;
	[tilespmem:s22+$0xE450] =	vst v10  }
0x126: {  	v6 =	vadd.f32 v18, v6;
	v1 =	vadd.f32 v32, v1;
	v7 =	vmul.f32 $2.441406250e-04, v7;
	[tilespmem:s22+$0xE460] =	vst v9  }
0x127: {  	v3 =	vadd.f32 v16, v3;
	v5 =	vadd.f32 v57, v5;
	v4 =	vmul.f32 $2.441406250e-04, v4;
	[tilespmem:s22+$0xE470] =	vst v8  }
0x128: {  	v6 =	vadd.f32 v58, v6;
	v1 =	vmul.f32 $2.441406250e-04, v1;
	[tilespmem:s22+$0xE480] =	vst v7  }
0x129: {  	v2 =	vadd.f32 v17, v2;
	v3 =	vadd.f32 v59, v3;
	v61 =	vmul.f32 $2.441406250e-04, v5;
	[tilespmem:s22+$0xE490] =	vst v4  }
0x12a: {  	v0 =	vadd.f32 v21, v0;
	v62 =	vmul.f32 $2.441406250e-04, v6;
	[tilespmem:s22+$0xE4A0] =	vst v1  }
.Ltmp6:
0x12b: {  	v2 =	vadd.f32 v60, v2;
	v3 =	vmul.f32 $2.441406250e-04, v3;
	[tilespmem:s22+$0xE4B0] =	vst v61;
	(pc) =	sbr.rel @p0 .LBB2_12-.Ltmp6, $4  }
0x12c: {  	v0 =	vmul.f32 $2.441406250e-04, v0;
	[tilespmem:s22+$0xE4C0] =	vst v62  }
0x12d: {  	v63 =	vmul.f32 $2.441406250e-04, v2;
	[tilespmem:s22+$0xE4D0] =	vst v3  }
0x12e: {  	[tilespmem:s22+$0xE4F0] =	vst v0  }
0x12f: {  	[tilespmem:s22+$0xE4E0] =	vst v63  }
0x130: {  	s22 =	smul.u32 $0xC80, s21  }
.Ltmp7:
0x131: {  	_ = 	snop;
	(pc) =	sbr.rel .LBB2_2-.Ltmp7, $4  }
0x132: {  	_ = 	snop  }
0x133: {  	s22 =	sshra.s32 s22, $0x2  }
0x134: {  	s21 =	sadd.s32 $0x1, s21;
	s22 =	sadd.s32 $0x578, s22  }
0x135: {  	[tilespmem:s14], [sflag:$0x4] =	stream.indirect.gather [hbm4b:s3+s8], $0x40, s22, s8, $0xb8;
	[tilespmem:$0x10100] =	vst v63  }
.LBB2_13:
0x136: {  	_ =	sfence.sel $0x180000  }
0x137: {  	[bflag:$0x0] =	sbarrier.arrive $0xFFFF  }
0x138: {  	p0 =	sne.s32 s0, $0x0;
	_ =	strace $0x90000047  }
0x139: {  	s0 =	sadd.s32 @!p0 $0x100000, s1;
	[bflag:$0x2] =	sbarrier.arrive $0xFFFF  }
0x13a: {  	[sflag:s0] =	ssyncadd.tile.s32 @!p0 $0x1;
	_ =	shalt  }
.Lfunc_end2:
_tile_overlayer_lowered:
.L_overlay_start_2:
0x13b: {  	(tag) =	ssettag $0x2  }
0x13c: {  	s0 =	rddreg [dreg:$0x0];
	s2 =	stileid.u32  }
0x13d: {  	s1 =	rddreg [dreg:$0x1];
	p0 =	sne.s32 s2, $0x0  }
0x13e: {  	s3 =	rddreg [dreg:$0x2];
	[bflag:$0x3] =	sbarrier.arrive $0xFFFF;
	s2 =	simm.s32 @!p0 $0x1C05  }
0x13f: {  	[timem:s3], [sflag:s2] =	dma.local @!p0 [hbm:s0], s1  }
0x140: {  	s0 =	simm.s32 @!p0 $0x5  }
0x141: {  	_ =	swait.ge @!p0 [sflag:s0], s1  }
0x142: {  	s1 =	ssub.s32 @!p0 $0x0, s1;
	[sflag:s0] =	ssyncset.done @!p0 $0x0  }
0x143: {  	[sflag:s0] =	ssyncadd.s32 @!p0 s1  }
0x144: {  	[bflag:$0x3] =	sbarrier.arrive $0xFFFF  }
0x145: {  	_ =	shalt  }

</sc_bundles>
